<compile_context>
chip_gen: v7x
topology: tpu7x:2x2x1
jax: 0.10.2.dev20260603
libtpu: 0.0.44.dev20260713+nightly
codegen_flags: <defaults>
</compile_context>

<pallas_src>
import functools

import jax
import jax.numpy as jnp
from jax import lax
from jax.experimental import pallas as pl
from jax.experimental.pallas import tpu as pltpu
from jax.experimental.pallas import tpu_sc as plsc

HIDDEN = 2048
NUM_CORES = 2
NUM_SUBCORES = 16
NUM_WORKERS = NUM_CORES * NUM_SUBCORES
CHUNK = 8
NBUF = 6
LAG = 2
DEPTH = NBUF - LAG


@functools.partial(jax.jit, static_argnums=(2,))
def _lookup(ids_flat, table, num_ids):
  b_per_w = num_ids // NUM_WORKERS
  n_chunks = b_per_w // CHUNK
  n_rounds = n_chunks // NBUF
  tail = n_chunks - n_rounds * NBUF
  mesh = plsc.VectorSubcoreMesh(
      core_axis_name="c", subcore_axis_name="s", num_cores=NUM_CORES)

  @functools.partial(
      pl.kernel,
      mesh=mesh,
      out_type=jax.ShapeDtypeStruct((num_ids, HIDDEN), jnp.float32),
      scratch_types=[
          pltpu.VMEM((b_per_w,), jnp.int32),
          pltpu.VMEM((NBUF, CHUNK, HIDDEN), jnp.float32),
          [pltpu.SemaphoreType.DMA] * NBUF,
          [pltpu.SemaphoreType.DMA] * NBUF,
      ],
  )
  def k(idx_hbm, table_hbm, out_hbm, idx_v, rows_v, gsems, ssems):
    wid = lax.axis_index("s") * NUM_CORES + lax.axis_index("c")
    base = wid * b_per_w
    pltpu.sync_copy(idx_hbm.at[pl.ds(base, b_per_w)], idx_v)

    def gather_start(g, slot):
      pltpu.async_copy(
          table_hbm.at[idx_v.at[pl.ds(g * CHUNK, CHUNK)]],
          rows_v.at[slot], gsems[slot])

    def gather_wait(slot):
      pltpu.make_async_copy(
          table_hbm.at[idx_v.at[pl.ds(0, CHUNK)]],
          rows_v.at[slot], gsems[slot]).wait()

    def store_start(g, slot):
      pltpu.async_copy(
          rows_v.at[slot], out_hbm.at[pl.ds(base + g * CHUNK, CHUNK)],
          ssems[slot])

    def store_wait(slot):
      pltpu.make_async_copy(
          rows_v.at[slot], out_hbm.at[pl.ds(base, CHUNK)],
          ssems[slot]).wait()

    def emit_chunk(g, b, do_store_wait, do_gather_start):
      if do_store_wait:
        store_wait((b - LAG) % NBUF)
      if do_gather_start:
        gather_start(g + DEPTH, (b + DEPTH) % NBUF)
      gather_wait(b)
      store_start(g, b)

    for g in range(DEPTH):
      gather_start(g, g)

    for b in range(NBUF):
      emit_chunk(b, b, b >= LAG, b + DEPTH < n_chunks)

    def round_body(r, carry):
      g0 = r * NBUF
      for b in range(NBUF):
        emit_chunk(g0 + b, b, True, True)
      return carry

    lax.fori_loop(1, n_rounds, round_body, 0)

    for t in range(tail):
      g = n_rounds * NBUF + t
      emit_chunk(g, g % NBUF, True, g + DEPTH < n_chunks)

    for g in range(n_chunks - LAG, n_chunks):
      store_wait(g % NBUF)

  return k(ids_flat, table)


def kernel(input_ids, vocab_embedding):
  b, s = input_ids.shape
  ids_flat = input_ids.reshape(b * s).astype(jnp.int32)
  out = _lookup(ids_flat, vocab_embedding, b * s)
  return out.reshape(b, s, HIDDEN)

# --- scband reference (transcript-rebuilt; emitter-appended) ---
"""Pipeline reference for scband-xiaoan-transformer-10668698763298 (READ-ONLY COPY).

The authoritative reference and input builder live on the scoring server;
editing this copy changes nothing except your own understanding.
"""

import jax, jax.numpy as jnp
import numpy as np

VOCAB = 100000
HIDDEN = 2048
BATCH = 4
SEQ = 4096

def setup_inputs(seed: int = 0) -> dict:
    key = jax.random.key(seed)
    k_ids, k_tab = jax.random.split(key)
    input_ids = jax.random.randint(k_ids, (BATCH, SEQ), 0, VOCAB, dtype=jnp.int64)
    vocab_embedding = jax.random.normal(k_tab, (VOCAB, HIDDEN), dtype=jnp.float32) * 0.02
    return {"input_ids": input_ids, "vocab_embedding": vocab_embedding}

def reference(input_ids, vocab_embedding):
    # Faithful translation of XiaoanTransformer.forward:
    # hidden_states = self.vocab_embedding(input_ids)
    hidden_states = jnp.take(vocab_embedding, input_ids, axis=0)
    return hidden_states

if __name__ == "__main__":
    import jax
    _d = setup_inputs()
    print(jax.jit(kernel)(*tuple(_d.values())))

</pallas_src>

<mosaic_0001>
#map = affine_map<(d0, d1) -> (0)>
#map1 = affine_map<(d0, d1) -> (0, 0)>
module attributes {stable_mosaic.version = 14 : i64} {
  func.func @k(%arg0: i32, %arg1: i32, %arg2: memref<16384xi32, #tpu.memory_space<hbm>>, %arg3: memref<100000x2048xf32, #tpu.memory_space<hbm>>, %arg4: memref<16384x2048xf32, #tpu.memory_space<hbm>>, %arg5: memref<512xi32, #tpu.memory_space<vmem>>, %arg6: memref<6x8x2048xf32, #tpu.memory_space<vmem>>, %arg7: memref<!tpu.dma_semaphore, #tpu.memory_space<semaphore_mem>>, %arg8: memref<!tpu.dma_semaphore, #tpu.memory_space<semaphore_mem>>, %arg9: memref<!tpu.dma_semaphore, #tpu.memory_space<semaphore_mem>>, %arg10: memref<!tpu.dma_semaphore, #tpu.memory_space<semaphore_mem>>, %arg11: memref<!tpu.dma_semaphore, #tpu.memory_space<semaphore_mem>>, %arg12: memref<!tpu.dma_semaphore, #tpu.memory_space<semaphore_mem>>, %arg13: memref<!tpu.dma_semaphore, #tpu.memory_space<semaphore_mem>>, %arg14: memref<!tpu.dma_semaphore, #tpu.memory_space<semaphore_mem>>, %arg15: memref<!tpu.dma_semaphore, #tpu.memory_space<semaphore_mem>>, %arg16: memref<!tpu.dma_semaphore, #tpu.memory_space<semaphore_mem>>, %arg17: memref<!tpu.dma_semaphore, #tpu.memory_space<semaphore_mem>>, %arg18: memref<!tpu.dma_semaphore, #tpu.memory_space<semaphore_mem>>) attributes {dimension_semantics = [#tpu.dimension_semantics<core_parallel>, #tpu.dimension_semantics<subcore_parallel>], iteration_bounds = array<i64: 2, 16>, scalar_prefetch = 0 : i64, scratch_operands = 14 : i64, tpu.core_type = #tpu.core_type<sc_vector_subcore>, window_params = [{transform_indices = #map}, {transform_indices = #map1}, {transform_indices = #map1}]} {
    %mul3A = arith.constant 2 : i32
    %mul3A_0 = arith.muli %arg1, %mul3A : i32
    %add3A = arith.addi %mul3A_0, %arg0 : i32
    %mul3A_1 = arith.constant 512 : i32
    %mul3A_2 = arith.muli %add3A, %mul3A_1 : i32
    "tpu.region"() ({
      %run_scoped3A = tpu.sem_alloc : memref<!tpu.dma_semaphore, #tpu.memory_space<semaphore_mem>>
      %dma_start3A_486 = tpu.memref_slice %arg2[%mul3A_2] : memref<16384xi32, #tpu.memory_space<hbm>> -> memref<512xi32, #tpu.memory_space<hbm>>
      %dma_start3A_487 = tpu.memref_slice %arg2[%mul3A_2] : memref<16384xi32, #tpu.memory_space<hbm>> -> memref<512xi32, #tpu.memory_space<hbm>>
      tpu.enqueue_dma source(%dma_start3A_487 : memref<512xi32, #tpu.memory_space<hbm>>) target(%arg5 : memref<512xi32, #tpu.memory_space<vmem>>) target_semaphore(%run_scoped3A : memref<!tpu.dma_semaphore, #tpu.memory_space<semaphore_mem>>)
      %dma_wait3A_488 = tpu.memref_slice %arg2[%mul3A_2] : memref<16384xi32, #tpu.memory_space<hbm>> -> memref<512xi32, #tpu.memory_space<hbm>>
      %dma_wait3A_489 = tpu.memref_slice %arg2[%mul3A_2] : memref<16384xi32, #tpu.memory_space<hbm>> -> memref<512xi32, #tpu.memory_space<hbm>>
      tpu.wait_dma2 semaphore(%run_scoped3A : memref<!tpu.dma_semaphore, #tpu.memory_space<semaphore_mem>>) src(%dma_wait3A_489 : memref<512xi32, #tpu.memory_space<hbm>>) dst(%arg5 : memref<512xi32, #tpu.memory_space<vmem>>)
      tpu.yield
    }) : () -> ()
    %dma_start3A = arith.constant 0 : i32
    %dma_start3A_3 = arith.constant 0 : i32
    %dma_start3A_4 = arith.constant 0 : i32
    %dma_start3A_5 = tpu.memref_slice %arg6[%dma_start3A, %dma_start3A_3, %dma_start3A_4] : memref<6x8x2048xf32, #tpu.memory_space<vmem>> -> memref<1x8x2048xf32, #tpu.memory_space<vmem>>
    %dma_start3A_6 = tpu.memref_squeeze %dma_start3A_5 : memref<1x8x2048xf32, #tpu.memory_space<vmem>> -> memref<8x2048xf32, #tpu.memory_space<vmem>>
    %dma_start3A_7 = arith.constant 0 : i32
    %dma_start3A_8 = tpu.memref_slice %arg5[%dma_start3A_7] : memref<512xi32, #tpu.memory_space<vmem>> -> memref<8xi32, #tpu.memory_space<vmem>>
    %dma_start3A_9 = arith.constant 0 : i32
    %dma_start3A_10 = arith.constant 0 : i32
    %dma_start3A_11 = tpu.memref_slice %arg3[%dma_start3A_9, %dma_start3A_10] : memref<100000x2048xf32, #tpu.memory_space<hbm>> -> memref<100000x2048xf32, #tpu.memory_space<hbm>>
    tpu.enqueue_indirect_dma source(%dma_start3A_11 : memref<100000x2048xf32, #tpu.memory_space<hbm>>) target(%dma_start3A_6 : memref<8x2048xf32, #tpu.memory_space<vmem>>) offsets(%dma_start3A_8 : memref<8xi32, #tpu.memory_space<vmem>>) semaphore(%arg7 : memref<!tpu.dma_semaphore, #tpu.memory_space<semaphore_mem>>)
    %dma_start3A_12 = arith.constant 1 : i32
    %dma_start3A_13 = arith.constant 0 : i32
    %dma_start3A_14 = arith.constant 0 : i32
    %dma_start3A_15 = tpu.memref_slice %arg6[%dma_start3A_12, %dma_start3A_13, %dma_start3A_14] : memref<6x8x2048xf32, #tpu.memory_space<vmem>> -> memref<1x8x2048xf32, #tpu.memory_space<vmem>>
    %dma_start3A_16 = tpu.memref_squeeze %dma_start3A_15 : memref<1x8x2048xf32, #tpu.memory_space<vmem>> -> memref<8x2048xf32, #tpu.memory_space<vmem>>
    %dma_start3A_17 = arith.constant 8 : i32
    %dma_start3A_18 = tpu.memref_slice %arg5[%dma_start3A_17] : memref<512xi32, #tpu.memory_space<vmem>> -> memref<8xi32, #tpu.memory_space<vmem>>
    %dma_start3A_19 = arith.constant 0 : i32
    %dma_start3A_20 = arith.constant 0 : i32
    %dma_start3A_21 = tpu.memref_slice %arg3[%dma_start3A_19, %dma_start3A_20] : memref<100000x2048xf32, #tpu.memory_space<hbm>> -> memref<100000x2048xf32, #tpu.memory_space<hbm>>
    tpu.enqueue_indirect_dma source(%dma_start3A_21 : memref<100000x2048xf32, #tpu.memory_space<hbm>>) target(%dma_start3A_16 : memref<8x2048xf32, #tpu.memory_space<vmem>>) offsets(%dma_start3A_18 : memref<8xi32, #tpu.memory_space<vmem>>) semaphore(%arg8 : memref<!tpu.dma_semaphore, #tpu.memory_space<semaphore_mem>>)
    %dma_start3A_22 = arith.constant 2 : i32
    %dma_start3A_23 = arith.constant 0 : i32
    %dma_start3A_24 = arith.constant 0 : i32
    %dma_start3A_25 = tpu.memref_slice %arg6[%dma_start3A_22, %dma_start3A_23, %dma_start3A_24] : memref<6x8x2048xf32, #tpu.memory_space<vmem>> -> memref<1x8x2048xf32, #tpu.memory_space<vmem>>
    %dma_start3A_26 = tpu.memref_squeeze %dma_start3A_25 : memref<1x8x2048xf32, #tpu.memory_space<vmem>> -> memref<8x2048xf32, #tpu.memory_space<vmem>>
    %dma_start3A_27 = arith.constant 16 : i32
    %dma_start3A_28 = tpu.memref_slice %arg5[%dma_start3A_27] : memref<512xi32, #tpu.memory_space<vmem>> -> memref<8xi32, #tpu.memory_space<vmem>>
    %dma_start3A_29 = arith.constant 0 : i32
    %dma_start3A_30 = arith.constant 0 : i32
    %dma_start3A_31 = tpu.memref_slice %arg3[%dma_start3A_29, %dma_start3A_30] : memref<100000x2048xf32, #tpu.memory_space<hbm>> -> memref<100000x2048xf32, #tpu.memory_space<hbm>>
    tpu.enqueue_indirect_dma source(%dma_start3A_31 : memref<100000x2048xf32, #tpu.memory_space<hbm>>) target(%dma_start3A_26 : memref<8x2048xf32, #tpu.memory_space<vmem>>) offsets(%dma_start3A_28 : memref<8xi32, #tpu.memory_space<vmem>>) semaphore(%arg9 : memref<!tpu.dma_semaphore, #tpu.memory_space<semaphore_mem>>)
    %dma_start3A_32 = arith.constant 3 : i32
    %dma_start3A_33 = arith.constant 0 : i32
    %dma_start3A_34 = arith.constant 0 : i32
    %dma_start3A_35 = tpu.memref_slice %arg6[%dma_start3A_32, %dma_start3A_33, %dma_start3A_34] : memref<6x8x2048xf32, #tpu.memory_space<vmem>> -> memref<1x8x2048xf32, #tpu.memory_space<vmem>>
    %dma_start3A_36 = tpu.memref_squeeze %dma_start3A_35 : memref<1x8x2048xf32, #tpu.memory_space<vmem>> -> memref<8x2048xf32, #tpu.memory_space<vmem>>
    %dma_start3A_37 = arith.constant 24 : i32
    %dma_start3A_38 = tpu.memref_slice %arg5[%dma_start3A_37] : memref<512xi32, #tpu.memory_space<vmem>> -> memref<8xi32, #tpu.memory_space<vmem>>
    %dma_start3A_39 = arith.constant 0 : i32
    %dma_start3A_40 = arith.constant 0 : i32
    %dma_start3A_41 = tpu.memref_slice %arg3[%dma_start3A_39, %dma_start3A_40] : memref<100000x2048xf32, #tpu.memory_space<hbm>> -> memref<100000x2048xf32, #tpu.memory_space<hbm>>
    tpu.enqueue_indirect_dma source(%dma_start3A_41 : memref<100000x2048xf32, #tpu.memory_space<hbm>>) target(%dma_start3A_36 : memref<8x2048xf32, #tpu.memory_space<vmem>>) offsets(%dma_start3A_38 : memref<8xi32, #tpu.memory_space<vmem>>) semaphore(%arg10 : memref<!tpu.dma_semaphore, #tpu.memory_space<semaphore_mem>>)
    %dma_start3A_42 = arith.constant 4 : i32
    %dma_start3A_43 = arith.constant 0 : i32
    %dma_start3A_44 = arith.constant 0 : i32
    %dma_start3A_45 = tpu.memref_slice %arg6[%dma_start3A_42, %dma_start3A_43, %dma_start3A_44] : memref<6x8x2048xf32, #tpu.memory_space<vmem>> -> memref<1x8x2048xf32, #tpu.memory_space<vmem>>
    %dma_start3A_46 = tpu.memref_squeeze %dma_start3A_45 : memref<1x8x2048xf32, #tpu.memory_space<vmem>> -> memref<8x2048xf32, #tpu.memory_space<vmem>>
    %dma_start3A_47 = arith.constant 32 : i32
    %dma_start3A_48 = tpu.memref_slice %arg5[%dma_start3A_47] : memref<512xi32, #tpu.memory_space<vmem>> -> memref<8xi32, #tpu.memory_space<vmem>>
    %dma_start3A_49 = arith.constant 0 : i32
    %dma_start3A_50 = arith.constant 0 : i32
    %dma_start3A_51 = tpu.memref_slice %arg3[%dma_start3A_49, %dma_start3A_50] : memref<100000x2048xf32, #tpu.memory_space<hbm>> -> memref<100000x2048xf32, #tpu.memory_space<hbm>>
    tpu.enqueue_indirect_dma source(%dma_start3A_51 : memref<100000x2048xf32, #tpu.memory_space<hbm>>) target(%dma_start3A_46 : memref<8x2048xf32, #tpu.memory_space<vmem>>) offsets(%dma_start3A_48 : memref<8xi32, #tpu.memory_space<vmem>>) semaphore(%arg11 : memref<!tpu.dma_semaphore, #tpu.memory_space<semaphore_mem>>)
    %dma_wait3A = arith.constant 0 : i32
    %dma_wait3A_52 = arith.constant 0 : i32
    %dma_wait3A_53 = arith.constant 0 : i32
    %dma_wait3A_54 = tpu.memref_slice %arg6[%dma_wait3A, %dma_wait3A_52, %dma_wait3A_53] : memref<6x8x2048xf32, #tpu.memory_space<vmem>> -> memref<1x8x2048xf32, #tpu.memory_space<vmem>>
    %dma_wait3A_55 = tpu.memref_squeeze %dma_wait3A_54 : memref<1x8x2048xf32, #tpu.memory_space<vmem>> -> memref<8x2048xf32, #tpu.memory_space<vmem>>
    %dma_wait3A_56 = arith.constant 0 : i32
    %dma_wait3A_57 = tpu.memref_slice %arg5[%dma_wait3A_56] : memref<512xi32, #tpu.memory_space<vmem>> -> memref<8xi32, #tpu.memory_space<vmem>>
    %dma_wait3A_58 = arith.constant 0 : i32
    %dma_wait3A_59 = arith.constant 0 : i32
    %dma_wait3A_60 = tpu.memref_slice %arg3[%dma_wait3A_58, %dma_wait3A_59] : memref<100000x2048xf32, #tpu.memory_space<hbm>> -> memref<100000x2048xf32, #tpu.memory_space<hbm>>
    tpu.wait_indirect_dma semaphore(%arg7 : memref<!tpu.dma_semaphore, #tpu.memory_space<semaphore_mem>>) src(%dma_wait3A_60 : memref<100000x2048xf32, #tpu.memory_space<hbm>>) dst(%dma_wait3A_55 : memref<8x2048xf32, #tpu.memory_space<vmem>>)
    %add3A_61 = arith.constant 0 : i32
    %add3A_62 = arith.addi %mul3A_2, %add3A_61 : i32
    %dma_start3A_63 = arith.constant 0 : i32
    %dma_start3A_64 = arith.constant 0 : i32
    %dma_start3A_65 = arith.constant 0 : i32
    %dma_start3A_66 = tpu.memref_slice %arg6[%dma_start3A_63, %dma_start3A_64, %dma_start3A_65] : memref<6x8x2048xf32, #tpu.memory_space<vmem>> -> memref<1x8x2048xf32, #tpu.memory_space<vmem>>
    %dma_start3A_67 = tpu.memref_squeeze %dma_start3A_66 : memref<1x8x2048xf32, #tpu.memory_space<vmem>> -> memref<8x2048xf32, #tpu.memory_space<vmem>>
    %dma_start3A_68 = arith.constant 0 : i32
    %dma_start3A_69 = tpu.memref_slice %arg4[%add3A_62, %dma_start3A_68] : memref<16384x2048xf32, #tpu.memory_space<hbm>> -> memref<8x2048xf32, #tpu.memory_space<hbm>>
    %dma_start3A_70 = arith.constant 0 : i32
    %dma_start3A_71 = tpu.memref_slice %arg4[%add3A_62, %dma_start3A_70] : memref<16384x2048xf32, #tpu.memory_space<hbm>> -> memref<8x2048xf32, #tpu.memory_space<hbm>>
    %dma_start3A_72 = arith.constant 0 : i32
    %dma_start3A_73 = arith.constant 0 : i32
    %dma_start3A_74 = tpu.memref_slice %arg6[%dma_start3A_63, %dma_start3A_72, %dma_start3A_73] : memref<6x8x2048xf32, #tpu.memory_space<vmem>> -> memref<1x8x2048xf32, #tpu.memory_space<vmem>>
    %dma_start3A_75 = tpu.memref_squeeze %dma_start3A_74 : memref<1x8x2048xf32, #tpu.memory_space<vmem>> -> memref<8x2048xf32, #tpu.memory_space<vmem>>
    tpu.enqueue_dma source(%dma_start3A_75 : memref<8x2048xf32, #tpu.memory_space<vmem>>) target(%dma_start3A_71 : memref<8x2048xf32, #tpu.memory_space<hbm>>) target_semaphore(%arg13 : memref<!tpu.dma_semaphore, #tpu.memory_space<semaphore_mem>>)
    %dma_start3A_76 = arith.constant 5 : i32
    %dma_start3A_77 = arith.constant 0 : i32
    %dma_start3A_78 = arith.constant 0 : i32
    %dma_start3A_79 = tpu.memref_slice %arg6[%dma_start3A_76, %dma_start3A_77, %dma_start3A_78] : memref<6x8x2048xf32, #tpu.memory_space<vmem>> -> memref<1x8x2048xf32, #tpu.memory_space<vmem>>
    %dma_start3A_80 = tpu.memref_squeeze %dma_start3A_79 : memref<1x8x2048xf32, #tpu.memory_space<vmem>> -> memref<8x2048xf32, #tpu.memory_space<vmem>>
    %dma_start3A_81 = arith.constant 40 : i32
    %dma_start3A_82 = tpu.memref_slice %arg5[%dma_start3A_81] : memref<512xi32, #tpu.memory_space<vmem>> -> memref<8xi32, #tpu.memory_space<vmem>>
    %dma_start3A_83 = arith.constant 0 : i32
    %dma_start3A_84 = arith.constant 0 : i32
    %dma_start3A_85 = tpu.memref_slice %arg3[%dma_start3A_83, %dma_start3A_84] : memref<100000x2048xf32, #tpu.memory_space<hbm>> -> memref<100000x2048xf32, #tpu.memory_space<hbm>>
    tpu.enqueue_indirect_dma source(%dma_start3A_85 : memref<100000x2048xf32, #tpu.memory_space<hbm>>) target(%dma_start3A_80 : memref<8x2048xf32, #tpu.memory_space<vmem>>) offsets(%dma_start3A_82 : memref<8xi32, #tpu.memory_space<vmem>>) semaphore(%arg12 : memref<!tpu.dma_semaphore, #tpu.memory_space<semaphore_mem>>)
    %dma_wait3A_86 = arith.constant 1 : i32
    %dma_wait3A_87 = arith.constant 0 : i32
    %dma_wait3A_88 = arith.constant 0 : i32
    %dma_wait3A_89 = tpu.memref_slice %arg6[%dma_wait3A_86, %dma_wait3A_87, %dma_wait3A_88] : memref<6x8x2048xf32, #tpu.memory_space<vmem>> -> memref<1x8x2048xf32, #tpu.memory_space<vmem>>
    %dma_wait3A_90 = tpu.memref_squeeze %dma_wait3A_89 : memref<1x8x2048xf32, #tpu.memory_space<vmem>> -> memref<8x2048xf32, #tpu.memory_space<vmem>>
    %dma_wait3A_91 = arith.constant 0 : i32
    %dma_wait3A_92 = tpu.memref_slice %arg5[%dma_wait3A_91] : memref<512xi32, #tpu.memory_space<vmem>> -> memref<8xi32, #tpu.memory_space<vmem>>
    %dma_wait3A_93 = arith.constant 0 : i32
    %dma_wait3A_94 = arith.constant 0 : i32
    %dma_wait3A_95 = tpu.memref_slice %arg3[%dma_wait3A_93, %dma_wait3A_94] : memref<100000x2048xf32, #tpu.memory_space<hbm>> -> memref<100000x2048xf32, #tpu.memory_space<hbm>>
    tpu.wait_indirect_dma semaphore(%arg8 : memref<!tpu.dma_semaphore, #tpu.memory_space<semaphore_mem>>) src(%dma_wait3A_95 : memref<100000x2048xf32, #tpu.memory_space<hbm>>) dst(%dma_wait3A_90 : memref<8x2048xf32, #tpu.memory_space<vmem>>)
    %add3A_96 = arith.constant 8 : i32
    %add3A_97 = arith.addi %mul3A_2, %add3A_96 : i32
    %dma_start3A_98 = arith.constant 1 : i32
    %dma_start3A_99 = arith.constant 0 : i32
    %dma_start3A_100 = arith.constant 0 : i32
    %dma_start3A_101 = tpu.memref_slice %arg6[%dma_start3A_98, %dma_start3A_99, %dma_start3A_100] : memref<6x8x2048xf32, #tpu.memory_space<vmem>> -> memref<1x8x2048xf32, #tpu.memory_space<vmem>>
    %dma_start3A_102 = tpu.memref_squeeze %dma_start3A_101 : memref<1x8x2048xf32, #tpu.memory_space<vmem>> -> memref<8x2048xf32, #tpu.memory_space<vmem>>
    %dma_start3A_103 = arith.constant 0 : i32
    %dma_start3A_104 = tpu.memref_slice %arg4[%add3A_97, %dma_start3A_103] : memref<16384x2048xf32, #tpu.memory_space<hbm>> -> memref<8x2048xf32, #tpu.memory_space<hbm>>
    %dma_start3A_105 = arith.constant 0 : i32
    %dma_start3A_106 = tpu.memref_slice %arg4[%add3A_97, %dma_start3A_105] : memref<16384x2048xf32, #tpu.memory_space<hbm>> -> memref<8x2048xf32, #tpu.memory_space<hbm>>
    %dma_start3A_107 = arith.constant 0 : i32
    %dma_start3A_108 = arith.constant 0 : i32
    %dma_start3A_109 = tpu.memref_slice %arg6[%dma_start3A_98, %dma_start3A_107, %dma_start3A_108] : memref<6x8x2048xf32, #tpu.memory_space<vmem>> -> memref<1x8x2048xf32, #tpu.memory_space<vmem>>
    %dma_start3A_110 = tpu.memref_squeeze %dma_start3A_109 : memref<1x8x2048xf32, #tpu.memory_space<vmem>> -> memref<8x2048xf32, #tpu.memory_space<vmem>>
    tpu.enqueue_dma source(%dma_start3A_110 : memref<8x2048xf32, #tpu.memory_space<vmem>>) target(%dma_start3A_106 : memref<8x2048xf32, #tpu.memory_space<hbm>>) target_semaphore(%arg14 : memref<!tpu.dma_semaphore, #tpu.memory_space<semaphore_mem>>)
    %dma_wait3A_111 = arith.constant 0 : i32
    %dma_wait3A_112 = arith.constant 0 : i32
    %dma_wait3A_113 = arith.constant 0 : i32
    %dma_wait3A_114 = tpu.memref_slice %arg6[%dma_wait3A_111, %dma_wait3A_112, %dma_wait3A_113] : memref<6x8x2048xf32, #tpu.memory_space<vmem>> -> memref<1x8x2048xf32, #tpu.memory_space<vmem>>
    %dma_wait3A_115 = tpu.memref_squeeze %dma_wait3A_114 : memref<1x8x2048xf32, #tpu.memory_space<vmem>> -> memref<8x2048xf32, #tpu.memory_space<vmem>>
    %dma_wait3A_116 = arith.constant 0 : i32
    %dma_wait3A_117 = tpu.memref_slice %arg4[%mul3A_2, %dma_wait3A_116] : memref<16384x2048xf32, #tpu.memory_space<hbm>> -> memref<8x2048xf32, #tpu.memory_space<hbm>>
    %dma_wait3A_118 = arith.constant 0 : i32
    %dma_wait3A_119 = tpu.memref_slice %arg4[%mul3A_2, %dma_wait3A_118] : memref<16384x2048xf32, #tpu.memory_space<hbm>> -> memref<8x2048xf32, #tpu.memory_space<hbm>>
    %dma_wait3A_120 = arith.constant 0 : i32
    %dma_wait3A_121 = arith.constant 0 : i32
    %dma_wait3A_122 = tpu.memref_slice %arg6[%dma_wait3A_111, %dma_wait3A_120, %dma_wait3A_121] : memref<6x8x2048xf32, #tpu.memory_space<vmem>> -> memref<1x8x2048xf32, #tpu.memory_space<vmem>>
    %dma_wait3A_123 = tpu.memref_squeeze %dma_wait3A_122 : memref<1x8x2048xf32, #tpu.memory_space<vmem>> -> memref<8x2048xf32, #tpu.memory_space<vmem>>
    tpu.wait_dma2 semaphore(%arg13 : memref<!tpu.dma_semaphore, #tpu.memory_space<semaphore_mem>>) src(%dma_wait3A_123 : memref<8x2048xf32, #tpu.memory_space<vmem>>) dst(%dma_wait3A_119 : memref<8x2048xf32, #tpu.memory_space<hbm>>)
    %dma_start3A_124 = arith.constant 0 : i32
    %dma_start3A_125 = arith.constant 0 : i32
    %dma_start3A_126 = arith.constant 0 : i32
    %dma_start3A_127 = tpu.memref_slice %arg6[%dma_start3A_124, %dma_start3A_125, %dma_start3A_126] : memref<6x8x2048xf32, #tpu.memory_space<vmem>> -> memref<1x8x2048xf32, #tpu.memory_space<vmem>>
    %dma_start3A_128 = tpu.memref_squeeze %dma_start3A_127 : memref<1x8x2048xf32, #tpu.memory_space<vmem>> -> memref<8x2048xf32, #tpu.memory_space<vmem>>
    %dma_start3A_129 = arith.constant 48 : i32
    %dma_start3A_130 = tpu.memref_slice %arg5[%dma_start3A_129] : memref<512xi32, #tpu.memory_space<vmem>> -> memref<8xi32, #tpu.memory_space<vmem>>
    %dma_start3A_131 = arith.constant 0 : i32
    %dma_start3A_132 = arith.constant 0 : i32
    %dma_start3A_133 = tpu.memref_slice %arg3[%dma_start3A_131, %dma_start3A_132] : memref<100000x2048xf32, #tpu.memory_space<hbm>> -> memref<100000x2048xf32, #tpu.memory_space<hbm>>
    tpu.enqueue_indirect_dma source(%dma_start3A_133 : memref<100000x2048xf32, #tpu.memory_space<hbm>>) target(%dma_start3A_128 : memref<8x2048xf32, #tpu.memory_space<vmem>>) offsets(%dma_start3A_130 : memref<8xi32, #tpu.memory_space<vmem>>) semaphore(%arg7 : memref<!tpu.dma_semaphore, #tpu.memory_space<semaphore_mem>>)
    %dma_wait3A_134 = arith.constant 2 : i32
    %dma_wait3A_135 = arith.constant 0 : i32
    %dma_wait3A_136 = arith.constant 0 : i32
    %dma_wait3A_137 = tpu.memref_slice %arg6[%dma_wait3A_134, %dma_wait3A_135, %dma_wait3A_136] : memref<6x8x2048xf32, #tpu.memory_space<vmem>> -> memref<1x8x2048xf32, #tpu.memory_space<vmem>>
    %dma_wait3A_138 = tpu.memref_squeeze %dma_wait3A_137 : memref<1x8x2048xf32, #tpu.memory_space<vmem>> -> memref<8x2048xf32, #tpu.memory_space<vmem>>
    %dma_wait3A_139 = arith.constant 0 : i32
    %dma_wait3A_140 = tpu.memref_slice %arg5[%dma_wait3A_139] : memref<512xi32, #tpu.memory_space<vmem>> -> memref<8xi32, #tpu.memory_space<vmem>>
    %dma_wait3A_141 = arith.constant 0 : i32
    %dma_wait3A_142 = arith.constant 0 : i32
    %dma_wait3A_143 = tpu.memref_slice %arg3[%dma_wait3A_141, %dma_wait3A_142] : memref<100000x2048xf32, #tpu.memory_space<hbm>> -> memref<100000x2048xf32, #tpu.memory_space<hbm>>
    tpu.wait_indirect_dma semaphore(%arg9 : memref<!tpu.dma_semaphore, #tpu.memory_space<semaphore_mem>>) src(%dma_wait3A_143 : memref<100000x2048xf32, #tpu.memory_space<hbm>>) dst(%dma_wait3A_138 : memref<8x2048xf32, #tpu.memory_space<vmem>>)
    %add3A_144 = arith.constant 16 : i32
    %add3A_145 = arith.addi %mul3A_2, %add3A_144 : i32
    %dma_start3A_146 = arith.constant 2 : i32
    %dma_start3A_147 = arith.constant 0 : i32
    %dma_start3A_148 = arith.constant 0 : i32
    %dma_start3A_149 = tpu.memref_slice %arg6[%dma_start3A_146, %dma_start3A_147, %dma_start3A_148] : memref<6x8x2048xf32, #tpu.memory_space<vmem>> -> memref<1x8x2048xf32, #tpu.memory_space<vmem>>
    %dma_start3A_150 = tpu.memref_squeeze %dma_start3A_149 : memref<1x8x2048xf32, #tpu.memory_space<vmem>> -> memref<8x2048xf32, #tpu.memory_space<vmem>>
    %dma_start3A_151 = arith.constant 0 : i32
    %dma_start3A_152 = tpu.memref_slice %arg4[%add3A_145, %dma_start3A_151] : memref<16384x2048xf32, #tpu.memory_space<hbm>> -> memref<8x2048xf32, #tpu.memory_space<hbm>>
    %dma_start3A_153 = arith.constant 0 : i32
    %dma_start3A_154 = tpu.memref_slice %arg4[%add3A_145, %dma_start3A_153] : memref<16384x2048xf32, #tpu.memory_space<hbm>> -> memref<8x2048xf32, #tpu.memory_space<hbm>>
    %dma_start3A_155 = arith.constant 0 : i32
    %dma_start3A_156 = arith.constant 0 : i32
    %dma_start3A_157 = tpu.memref_slice %arg6[%dma_start3A_146, %dma_start3A_155, %dma_start3A_156] : memref<6x8x2048xf32, #tpu.memory_space<vmem>> -> memref<1x8x2048xf32, #tpu.memory_space<vmem>>
    %dma_start3A_158 = tpu.memref_squeeze %dma_start3A_157 : memref<1x8x2048xf32, #tpu.memory_space<vmem>> -> memref<8x2048xf32, #tpu.memory_space<vmem>>
    tpu.enqueue_dma source(%dma_start3A_158 : memref<8x2048xf32, #tpu.memory_space<vmem>>) target(%dma_start3A_154 : memref<8x2048xf32, #tpu.memory_space<hbm>>) target_semaphore(%arg15 : memref<!tpu.dma_semaphore, #tpu.memory_space<semaphore_mem>>)
    %dma_wait3A_159 = arith.constant 1 : i32
    %dma_wait3A_160 = arith.constant 0 : i32
    %dma_wait3A_161 = arith.constant 0 : i32
    %dma_wait3A_162 = tpu.memref_slice %arg6[%dma_wait3A_159, %dma_wait3A_160, %dma_wait3A_161] : memref<6x8x2048xf32, #tpu.memory_space<vmem>> -> memref<1x8x2048xf32, #tpu.memory_space<vmem>>
    %dma_wait3A_163 = tpu.memref_squeeze %dma_wait3A_162 : memref<1x8x2048xf32, #tpu.memory_space<vmem>> -> memref<8x2048xf32, #tpu.memory_space<vmem>>
    %dma_wait3A_164 = arith.constant 0 : i32
    %dma_wait3A_165 = tpu.memref_slice %arg4[%mul3A_2, %dma_wait3A_164] : memref<16384x2048xf32, #tpu.memory_space<hbm>> -> memref<8x2048xf32, #tpu.memory_space<hbm>>
    %dma_wait3A_166 = arith.constant 0 : i32
    %dma_wait3A_167 = tpu.memref_slice %arg4[%mul3A_2, %dma_wait3A_166] : memref<16384x2048xf32, #tpu.memory_space<hbm>> -> memref<8x2048xf32, #tpu.memory_space<hbm>>
    %dma_wait3A_168 = arith.constant 0 : i32
    %dma_wait3A_169 = arith.constant 0 : i32
    %dma_wait3A_170 = tpu.memref_slice %arg6[%dma_wait3A_159, %dma_wait3A_168, %dma_wait3A_169] : memref<6x8x2048xf32, #tpu.memory_space<vmem>> -> memref<1x8x2048xf32, #tpu.memory_space<vmem>>
    %dma_wait3A_171 = tpu.memref_squeeze %dma_wait3A_170 : memref<1x8x2048xf32, #tpu.memory_space<vmem>> -> memref<8x2048xf32, #tpu.memory_space<vmem>>
    tpu.wait_dma2 semaphore(%arg14 : memref<!tpu.dma_semaphore, #tpu.memory_space<semaphore_mem>>) src(%dma_wait3A_171 : memref<8x2048xf32, #tpu.memory_space<vmem>>) dst(%dma_wait3A_167 : memref<8x2048xf32, #tpu.memory_space<hbm>>)
    %dma_start3A_172 = arith.constant 1 : i32
    %dma_start3A_173 = arith.constant 0 : i32
    %dma_start3A_174 = arith.constant 0 : i32
    %dma_start3A_175 = tpu.memref_slice %arg6[%dma_start3A_172, %dma_start3A_173, %dma_start3A_174] : memref<6x8x2048xf32, #tpu.memory_space<vmem>> -> memref<1x8x2048xf32, #tpu.memory_space<vmem>>
    %dma_start3A_176 = tpu.memref_squeeze %dma_start3A_175 : memref<1x8x2048xf32, #tpu.memory_space<vmem>> -> memref<8x2048xf32, #tpu.memory_space<vmem>>
    %dma_start3A_177 = arith.constant 56 : i32
    %dma_start3A_178 = tpu.memref_slice %arg5[%dma_start3A_177] : memref<512xi32, #tpu.memory_space<vmem>> -> memref<8xi32, #tpu.memory_space<vmem>>
    %dma_start3A_179 = arith.constant 0 : i32
    %dma_start3A_180 = arith.constant 0 : i32
    %dma_start3A_181 = tpu.memref_slice %arg3[%dma_start3A_179, %dma_start3A_180] : memref<100000x2048xf32, #tpu.memory_space<hbm>> -> memref<100000x2048xf32, #tpu.memory_space<hbm>>
    tpu.enqueue_indirect_dma source(%dma_start3A_181 : memref<100000x2048xf32, #tpu.memory_space<hbm>>) target(%dma_start3A_176 : memref<8x2048xf32, #tpu.memory_space<vmem>>) offsets(%dma_start3A_178 : memref<8xi32, #tpu.memory_space<vmem>>) semaphore(%arg8 : memref<!tpu.dma_semaphore, #tpu.memory_space<semaphore_mem>>)
    %dma_wait3A_182 = arith.constant 3 : i32
    %dma_wait3A_183 = arith.constant 0 : i32
    %dma_wait3A_184 = arith.constant 0 : i32
    %dma_wait3A_185 = tpu.memref_slice %arg6[%dma_wait3A_182, %dma_wait3A_183, %dma_wait3A_184] : memref<6x8x2048xf32, #tpu.memory_space<vmem>> -> memref<1x8x2048xf32, #tpu.memory_space<vmem>>
    %dma_wait3A_186 = tpu.memref_squeeze %dma_wait3A_185 : memref<1x8x2048xf32, #tpu.memory_space<vmem>> -> memref<8x2048xf32, #tpu.memory_space<vmem>>
    %dma_wait3A_187 = arith.constant 0 : i32
    %dma_wait3A_188 = tpu.memref_slice %arg5[%dma_wait3A_187] : memref<512xi32, #tpu.memory_space<vmem>> -> memref<8xi32, #tpu.memory_space<vmem>>
    %dma_wait3A_189 = arith.constant 0 : i32
    %dma_wait3A_190 = arith.constant 0 : i32
    %dma_wait3A_191 = tpu.memref_slice %arg3[%dma_wait3A_189, %dma_wait3A_190] : memref<100000x2048xf32, #tpu.memory_space<hbm>> -> memref<100000x2048xf32, #tpu.memory_space<hbm>>
    tpu.wait_indirect_dma semaphore(%arg10 : memref<!tpu.dma_semaphore, #tpu.memory_space<semaphore_mem>>) src(%dma_wait3A_191 : memref<100000x2048xf32, #tpu.memory_space<hbm>>) dst(%dma_wait3A_186 : memref<8x2048xf32, #tpu.memory_space<vmem>>)
    %add3A_192 = arith.constant 24 : i32
    %add3A_193 = arith.addi %mul3A_2, %add3A_192 : i32
    %dma_start3A_194 = arith.constant 3 : i32
    %dma_start3A_195 = arith.constant 0 : i32
    %dma_start3A_196 = arith.constant 0 : i32
    %dma_start3A_197 = tpu.memref_slice %arg6[%dma_start3A_194, %dma_start3A_195, %dma_start3A_196] : memref<6x8x2048xf32, #tpu.memory_space<vmem>> -> memref<1x8x2048xf32, #tpu.memory_space<vmem>>
    %dma_start3A_198 = tpu.memref_squeeze %dma_start3A_197 : memref<1x8x2048xf32, #tpu.memory_space<vmem>> -> memref<8x2048xf32, #tpu.memory_space<vmem>>
    %dma_start3A_199 = arith.constant 0 : i32
    %dma_start3A_200 = tpu.memref_slice %arg4[%add3A_193, %dma_start3A_199] : memref<16384x2048xf32, #tpu.memory_space<hbm>> -> memref<8x2048xf32, #tpu.memory_space<hbm>>
    %dma_start3A_201 = arith.constant 0 : i32
    %dma_start3A_202 = tpu.memref_slice %arg4[%add3A_193, %dma_start3A_201] : memref<16384x2048xf32, #tpu.memory_space<hbm>> -> memref<8x2048xf32, #tpu.memory_space<hbm>>
    %dma_start3A_203 = arith.constant 0 : i32
    %dma_start3A_204 = arith.constant 0 : i32
    %dma_start3A_205 = tpu.memref_slice %arg6[%dma_start3A_194, %dma_start3A_203, %dma_start3A_204] : memref<6x8x2048xf32, #tpu.memory_space<vmem>> -> memref<1x8x2048xf32, #tpu.memory_space<vmem>>
    %dma_start3A_206 = tpu.memref_squeeze %dma_start3A_205 : memref<1x8x2048xf32, #tpu.memory_space<vmem>> -> memref<8x2048xf32, #tpu.memory_space<vmem>>
    tpu.enqueue_dma source(%dma_start3A_206 : memref<8x2048xf32, #tpu.memory_space<vmem>>) target(%dma_start3A_202 : memref<8x2048xf32, #tpu.memory_space<hbm>>) target_semaphore(%arg16 : memref<!tpu.dma_semaphore, #tpu.memory_space<semaphore_mem>>)
    %dma_wait3A_207 = arith.constant 2 : i32
    %dma_wait3A_208 = arith.constant 0 : i32
    %dma_wait3A_209 = arith.constant 0 : i32
    %dma_wait3A_210 = tpu.memref_slice %arg6[%dma_wait3A_207, %dma_wait3A_208, %dma_wait3A_209] : memref<6x8x2048xf32, #tpu.memory_space<vmem>> -> memref<1x8x2048xf32, #tpu.memory_space<vmem>>
    %dma_wait3A_211 = tpu.memref_squeeze %dma_wait3A_210 : memref<1x8x2048xf32, #tpu.memory_space<vmem>> -> memref<8x2048xf32, #tpu.memory_space<vmem>>
    %dma_wait3A_212 = arith.constant 0 : i32
    %dma_wait3A_213 = tpu.memref_slice %arg4[%mul3A_2, %dma_wait3A_212] : memref<16384x2048xf32, #tpu.memory_space<hbm>> -> memref<8x2048xf32, #tpu.memory_space<hbm>>
    %dma_wait3A_214 = arith.constant 0 : i32
    %dma_wait3A_215 = tpu.memref_slice %arg4[%mul3A_2, %dma_wait3A_214] : memref<16384x2048xf32, #tpu.memory_space<hbm>> -> memref<8x2048xf32, #tpu.memory_space<hbm>>
    %dma_wait3A_216 = arith.constant 0 : i32
    %dma_wait3A_217 = arith.constant 0 : i32
    %dma_wait3A_218 = tpu.memref_slice %arg6[%dma_wait3A_207, %dma_wait3A_216, %dma_wait3A_217] : memref<6x8x2048xf32, #tpu.memory_space<vmem>> -> memref<1x8x2048xf32, #tpu.memory_space<vmem>>
    %dma_wait3A_219 = tpu.memref_squeeze %dma_wait3A_218 : memref<1x8x2048xf32, #tpu.memory_space<vmem>> -> memref<8x2048xf32, #tpu.memory_space<vmem>>
    tpu.wait_dma2 semaphore(%arg15 : memref<!tpu.dma_semaphore, #tpu.memory_space<semaphore_mem>>) src(%dma_wait3A_219 : memref<8x2048xf32, #tpu.memory_space<vmem>>) dst(%dma_wait3A_215 : memref<8x2048xf32, #tpu.memory_space<hbm>>)
    %dma_start3A_220 = arith.constant 2 : i32
    %dma_start3A_221 = arith.constant 0 : i32
    %dma_start3A_222 = arith.constant 0 : i32
    %dma_start3A_223 = tpu.memref_slice %arg6[%dma_start3A_220, %dma_start3A_221, %dma_start3A_222] : memref<6x8x2048xf32, #tpu.memory_space<vmem>> -> memref<1x8x2048xf32, #tpu.memory_space<vmem>>
    %dma_start3A_224 = tpu.memref_squeeze %dma_start3A_223 : memref<1x8x2048xf32, #tpu.memory_space<vmem>> -> memref<8x2048xf32, #tpu.memory_space<vmem>>
    %dma_start3A_225 = arith.constant 64 : i32
    %dma_start3A_226 = tpu.memref_slice %arg5[%dma_start3A_225] : memref<512xi32, #tpu.memory_space<vmem>> -> memref<8xi32, #tpu.memory_space<vmem>>
    %dma_start3A_227 = arith.constant 0 : i32
    %dma_start3A_228 = arith.constant 0 : i32
    %dma_start3A_229 = tpu.memref_slice %arg3[%dma_start3A_227, %dma_start3A_228] : memref<100000x2048xf32, #tpu.memory_space<hbm>> -> memref<100000x2048xf32, #tpu.memory_space<hbm>>
    tpu.enqueue_indirect_dma source(%dma_start3A_229 : memref<100000x2048xf32, #tpu.memory_space<hbm>>) target(%dma_start3A_224 : memref<8x2048xf32, #tpu.memory_space<vmem>>) offsets(%dma_start3A_226 : memref<8xi32, #tpu.memory_space<vmem>>) semaphore(%arg9 : memref<!tpu.dma_semaphore, #tpu.memory_space<semaphore_mem>>)
    %dma_wait3A_230 = arith.constant 4 : i32
    %dma_wait3A_231 = arith.constant 0 : i32
    %dma_wait3A_232 = arith.constant 0 : i32
    %dma_wait3A_233 = tpu.memref_slice %arg6[%dma_wait3A_230, %dma_wait3A_231, %dma_wait3A_232] : memref<6x8x2048xf32, #tpu.memory_space<vmem>> -> memref<1x8x2048xf32, #tpu.memory_space<vmem>>
    %dma_wait3A_234 = tpu.memref_squeeze %dma_wait3A_233 : memref<1x8x2048xf32, #tpu.memory_space<vmem>> -> memref<8x2048xf32, #tpu.memory_space<vmem>>
    %dma_wait3A_235 = arith.constant 0 : i32
    %dma_wait3A_236 = tpu.memref_slice %arg5[%dma_wait3A_235] : memref<512xi32, #tpu.memory_space<vmem>> -> memref<8xi32, #tpu.memory_space<vmem>>
    %dma_wait3A_237 = arith.constant 0 : i32
    %dma_wait3A_238 = arith.constant 0 : i32
    %dma_wait3A_239 = tpu.memref_slice %arg3[%dma_wait3A_237, %dma_wait3A_238] : memref<100000x2048xf32, #tpu.memory_space<hbm>> -> memref<100000x2048xf32, #tpu.memory_space<hbm>>
    tpu.wait_indirect_dma semaphore(%arg11 : memref<!tpu.dma_semaphore, #tpu.memory_space<semaphore_mem>>) src(%dma_wait3A_239 : memref<100000x2048xf32, #tpu.memory_space<hbm>>) dst(%dma_wait3A_234 : memref<8x2048xf32, #tpu.memory_space<vmem>>)
    %add3A_240 = arith.constant 32 : i32
    %add3A_241 = arith.addi %mul3A_2, %add3A_240 : i32
    %dma_start3A_242 = arith.constant 4 : i32
    %dma_start3A_243 = arith.constant 0 : i32
    %dma_start3A_244 = arith.constant 0 : i32
    %dma_start3A_245 = tpu.memref_slice %arg6[%dma_start3A_242, %dma_start3A_243, %dma_start3A_244] : memref<6x8x2048xf32, #tpu.memory_space<vmem>> -> memref<1x8x2048xf32, #tpu.memory_space<vmem>>
    %dma_start3A_246 = tpu.memref_squeeze %dma_start3A_245 : memref<1x8x2048xf32, #tpu.memory_space<vmem>> -> memref<8x2048xf32, #tpu.memory_space<vmem>>
    %dma_start3A_247 = arith.constant 0 : i32
    %dma_start3A_248 = tpu.memref_slice %arg4[%add3A_241, %dma_start3A_247] : memref<16384x2048xf32, #tpu.memory_space<hbm>> -> memref<8x2048xf32, #tpu.memory_space<hbm>>
    %dma_start3A_249 = arith.constant 0 : i32
    %dma_start3A_250 = tpu.memref_slice %arg4[%add3A_241, %dma_start3A_249] : memref<16384x2048xf32, #tpu.memory_space<hbm>> -> memref<8x2048xf32, #tpu.memory_space<hbm>>
    %dma_start3A_251 = arith.constant 0 : i32
    %dma_start3A_252 = arith.constant 0 : i32
    %dma_start3A_253 = tpu.memref_slice %arg6[%dma_start3A_242, %dma_start3A_251, %dma_start3A_252] : memref<6x8x2048xf32, #tpu.memory_space<vmem>> -> memref<1x8x2048xf32, #tpu.memory_space<vmem>>
    %dma_start3A_254 = tpu.memref_squeeze %dma_start3A_253 : memref<1x8x2048xf32, #tpu.memory_space<vmem>> -> memref<8x2048xf32, #tpu.memory_space<vmem>>
    tpu.enqueue_dma source(%dma_start3A_254 : memref<8x2048xf32, #tpu.memory_space<vmem>>) target(%dma_start3A_250 : memref<8x2048xf32, #tpu.memory_space<hbm>>) target_semaphore(%arg17 : memref<!tpu.dma_semaphore, #tpu.memory_space<semaphore_mem>>)
    %dma_wait3A_255 = arith.constant 3 : i32
    %dma_wait3A_256 = arith.constant 0 : i32
    %dma_wait3A_257 = arith.constant 0 : i32
    %dma_wait3A_258 = tpu.memref_slice %arg6[%dma_wait3A_255, %dma_wait3A_256, %dma_wait3A_257] : memref<6x8x2048xf32, #tpu.memory_space<vmem>> -> memref<1x8x2048xf32, #tpu.memory_space<vmem>>
    %dma_wait3A_259 = tpu.memref_squeeze %dma_wait3A_258 : memref<1x8x2048xf32, #tpu.memory_space<vmem>> -> memref<8x2048xf32, #tpu.memory_space<vmem>>
    %dma_wait3A_260 = arith.constant 0 : i32
    %dma_wait3A_261 = tpu.memref_slice %arg4[%mul3A_2, %dma_wait3A_260] : memref<16384x2048xf32, #tpu.memory_space<hbm>> -> memref<8x2048xf32, #tpu.memory_space<hbm>>
    %dma_wait3A_262 = arith.constant 0 : i32
    %dma_wait3A_263 = tpu.memref_slice %arg4[%mul3A_2, %dma_wait3A_262] : memref<16384x2048xf32, #tpu.memory_space<hbm>> -> memref<8x2048xf32, #tpu.memory_space<hbm>>
    %dma_wait3A_264 = arith.constant 0 : i32
    %dma_wait3A_265 = arith.constant 0 : i32
    %dma_wait3A_266 = tpu.memref_slice %arg6[%dma_wait3A_255, %dma_wait3A_264, %dma_wait3A_265] : memref<6x8x2048xf32, #tpu.memory_space<vmem>> -> memref<1x8x2048xf32, #tpu.memory_space<vmem>>
    %dma_wait3A_267 = tpu.memref_squeeze %dma_wait3A_266 : memref<1x8x2048xf32, #tpu.memory_space<vmem>> -> memref<8x2048xf32, #tpu.memory_space<vmem>>
    tpu.wait_dma2 semaphore(%arg16 : memref<!tpu.dma_semaphore, #tpu.memory_space<semaphore_mem>>) src(%dma_wait3A_267 : memref<8x2048xf32, #tpu.memory_space<vmem>>) dst(%dma_wait3A_263 : memref<8x2048xf32, #tpu.memory_space<hbm>>)
    %dma_start3A_268 = arith.constant 3 : i32
    %dma_start3A_269 = arith.constant 0 : i32
    %dma_start3A_270 = arith.constant 0 : i32
    %dma_start3A_271 = tpu.memref_slice %arg6[%dma_start3A_268, %dma_start3A_269, %dma_start3A_270] : memref<6x8x2048xf32, #tpu.memory_space<vmem>> -> memref<1x8x2048xf32, #tpu.memory_space<vmem>>
    %dma_start3A_272 = tpu.memref_squeeze %dma_start3A_271 : memref<1x8x2048xf32, #tpu.memory_space<vmem>> -> memref<8x2048xf32, #tpu.memory_space<vmem>>
    %dma_start3A_273 = arith.constant 72 : i32
    %dma_start3A_274 = tpu.memref_slice %arg5[%dma_start3A_273] : memref<512xi32, #tpu.memory_space<vmem>> -> memref<8xi32, #tpu.memory_space<vmem>>
    %dma_start3A_275 = arith.constant 0 : i32
    %dma_start3A_276 = arith.constant 0 : i32
    %dma_start3A_277 = tpu.memref_slice %arg3[%dma_start3A_275, %dma_start3A_276] : memref<100000x2048xf32, #tpu.memory_space<hbm>> -> memref<100000x2048xf32, #tpu.memory_space<hbm>>
    tpu.enqueue_indirect_dma source(%dma_start3A_277 : memref<100000x2048xf32, #tpu.memory_space<hbm>>) target(%dma_start3A_272 : memref<8x2048xf32, #tpu.memory_space<vmem>>) offsets(%dma_start3A_274 : memref<8xi32, #tpu.memory_space<vmem>>) semaphore(%arg10 : memref<!tpu.dma_semaphore, #tpu.memory_space<semaphore_mem>>)
    %dma_wait3A_278 = arith.constant 5 : i32
    %dma_wait3A_279 = arith.constant 0 : i32
    %dma_wait3A_280 = arith.constant 0 : i32
    %dma_wait3A_281 = tpu.memref_slice %arg6[%dma_wait3A_278, %dma_wait3A_279, %dma_wait3A_280] : memref<6x8x2048xf32, #tpu.memory_space<vmem>> -> memref<1x8x2048xf32, #tpu.memory_space<vmem>>
    %dma_wait3A_282 = tpu.memref_squeeze %dma_wait3A_281 : memref<1x8x2048xf32, #tpu.memory_space<vmem>> -> memref<8x2048xf32, #tpu.memory_space<vmem>>
    %dma_wait3A_283 = arith.constant 0 : i32
    %dma_wait3A_284 = tpu.memref_slice %arg5[%dma_wait3A_283] : memref<512xi32, #tpu.memory_space<vmem>> -> memref<8xi32, #tpu.memory_space<vmem>>
    %dma_wait3A_285 = arith.constant 0 : i32
    %dma_wait3A_286 = arith.constant 0 : i32
    %dma_wait3A_287 = tpu.memref_slice %arg3[%dma_wait3A_285, %dma_wait3A_286] : memref<100000x2048xf32, #tpu.memory_space<hbm>> -> memref<100000x2048xf32, #tpu.memory_space<hbm>>
    tpu.wait_indirect_dma semaphore(%arg12 : memref<!tpu.dma_semaphore, #tpu.memory_space<semaphore_mem>>) src(%dma_wait3A_287 : memref<100000x2048xf32, #tpu.memory_space<hbm>>) dst(%dma_wait3A_282 : memref<8x2048xf32, #tpu.memory_space<vmem>>)
    %add3A_288 = arith.constant 40 : i32
    %add3A_289 = arith.addi %mul3A_2, %add3A_288 : i32
    %dma_start3A_290 = arith.constant 5 : i32
    %dma_start3A_291 = arith.constant 0 : i32
    %dma_start3A_292 = arith.constant 0 : i32
    %dma_start3A_293 = tpu.memref_slice %arg6[%dma_start3A_290, %dma_start3A_291, %dma_start3A_292] : memref<6x8x2048xf32, #tpu.memory_space<vmem>> -> memref<1x8x2048xf32, #tpu.memory_space<vmem>>
    %dma_start3A_294 = tpu.memref_squeeze %dma_start3A_293 : memref<1x8x2048xf32, #tpu.memory_space<vmem>> -> memref<8x2048xf32, #tpu.memory_space<vmem>>
    %dma_start3A_295 = arith.constant 0 : i32
    %dma_start3A_296 = tpu.memref_slice %arg4[%add3A_289, %dma_start3A_295] : memref<16384x2048xf32, #tpu.memory_space<hbm>> -> memref<8x2048xf32, #tpu.memory_space<hbm>>
    %dma_start3A_297 = arith.constant 0 : i32
    %dma_start3A_298 = tpu.memref_slice %arg4[%add3A_289, %dma_start3A_297] : memref<16384x2048xf32, #tpu.memory_space<hbm>> -> memref<8x2048xf32, #tpu.memory_space<hbm>>
    %dma_start3A_299 = arith.constant 0 : i32
    %dma_start3A_300 = arith.constant 0 : i32
    %dma_start3A_301 = tpu.memref_slice %arg6[%dma_start3A_290, %dma_start3A_299, %dma_start3A_300] : memref<6x8x2048xf32, #tpu.memory_space<vmem>> -> memref<1x8x2048xf32, #tpu.memory_space<vmem>>
    %dma_start3A_302 = tpu.memref_squeeze %dma_start3A_301 : memref<1x8x2048xf32, #tpu.memory_space<vmem>> -> memref<8x2048xf32, #tpu.memory_space<vmem>>
    tpu.enqueue_dma source(%dma_start3A_302 : memref<8x2048xf32, #tpu.memory_space<vmem>>) target(%dma_start3A_298 : memref<8x2048xf32, #tpu.memory_space<hbm>>) target_semaphore(%arg18 : memref<!tpu.dma_semaphore, #tpu.memory_space<semaphore_mem>>)
    %scan3A = arith.constant 0 : i32
    %scan3A_303 = arith.constant 1 : i32
    %scan3A_304 = arith.constant 9 : i32
    %scan3A_305 = arith.addi %scan3A_303, %scan3A_304 : i32
    %scan3A_306 = arith.constant 1 : i32
    scf.for %scan3A_486 = %scan3A_303 to %scan3A_305 step %scan3A_306  : i32 {
      %mul3A_487 = arith.constant 6 : i32
      %mul3A_488 = arith.muli %scan3A_486, %mul3A_487 : i32
      %add3A_489 = arith.constant 0 : i32
      %add3A_490 = arith.addi %mul3A_488, %add3A_489 : i32
      %dma_wait3A_491 = arith.constant 4 : i32
      %dma_wait3A_492 = arith.constant 0 : i32
      %dma_wait3A_493 = arith.constant 0 : i32
      %dma_wait3A_494 = tpu.memref_slice %arg6[%dma_wait3A_491, %dma_wait3A_492, %dma_wait3A_493] : memref<6x8x2048xf32, #tpu.memory_space<vmem>> -> memref<1x8x2048xf32, #tpu.memory_space<vmem>>
      %dma_wait3A_495 = tpu.memref_squeeze %dma_wait3A_494 : memref<1x8x2048xf32, #tpu.memory_space<vmem>> -> memref<8x2048xf32, #tpu.memory_space<vmem>>
      %dma_wait3A_496 = arith.constant 0 : i32
      %dma_wait3A_497 = tpu.memref_slice %arg4[%mul3A_2, %dma_wait3A_496] : memref<16384x2048xf32, #tpu.memory_space<hbm>> -> memref<8x2048xf32, #tpu.memory_space<hbm>>
      %dma_wait3A_498 = arith.constant 0 : i32
      %dma_wait3A_499 = tpu.memref_slice %arg4[%mul3A_2, %dma_wait3A_498] : memref<16384x2048xf32, #tpu.memory_space<hbm>> -> memref<8x2048xf32, #tpu.memory_space<hbm>>
      %dma_wait3A_500 = arith.constant 0 : i32
      %dma_wait3A_501 = arith.constant 0 : i32
      %dma_wait3A_502 = tpu.memref_slice %arg6[%dma_wait3A_491, %dma_wait3A_500, %dma_wait3A_501] : memref<6x8x2048xf32, #tpu.memory_space<vmem>> -> memref<1x8x2048xf32, #tpu.memory_space<vmem>>
      %dma_wait3A_503 = tpu.memref_squeeze %dma_wait3A_502 : memref<1x8x2048xf32, #tpu.memory_space<vmem>> -> memref<8x2048xf32, #tpu.memory_space<vmem>>
      tpu.wait_dma2 semaphore(%arg17 : memref<!tpu.dma_semaphore, #tpu.memory_space<semaphore_mem>>) src(%dma_wait3A_503 : memref<8x2048xf32, #tpu.memory_space<vmem>>) dst(%dma_wait3A_499 : memref<8x2048xf32, #tpu.memory_space<hbm>>)
      %add3A_504 = arith.constant 4 : i32
      %add3A_505 = arith.addi %add3A_490, %add3A_504 : i32
      %mul3A_506 = arith.constant 8 : i32
      %mul3A_507 = arith.muli %add3A_505, %mul3A_506 : i32
      %dma_start3A_508 = arith.constant 4 : i32
      %dma_start3A_509 = arith.constant 0 : i32
      %dma_start3A_510 = arith.constant 0 : i32
      %dma_start3A_511 = tpu.memref_slice %arg6[%dma_start3A_508, %dma_start3A_509, %dma_start3A_510] : memref<6x8x2048xf32, #tpu.memory_space<vmem>> -> memref<1x8x2048xf32, #tpu.memory_space<vmem>>
      %dma_start3A_512 = tpu.memref_squeeze %dma_start3A_511 : memref<1x8x2048xf32, #tpu.memory_space<vmem>> -> memref<8x2048xf32, #tpu.memory_space<vmem>>
      %dma_start3A_513 = tpu.memref_slice %arg5[%mul3A_507] : memref<512xi32, #tpu.memory_space<vmem>> -> memref<8xi32, #tpu.memory_space<vmem>>
      %dma_start3A_514 = arith.constant 0 : i32
      %dma_start3A_515 = arith.constant 0 : i32
      %dma_start3A_516 = tpu.memref_slice %arg3[%dma_start3A_514, %dma_start3A_515] : memref<100000x2048xf32, #tpu.memory_space<hbm>> -> memref<100000x2048xf32, #tpu.memory_space<hbm>>
      tpu.enqueue_indirect_dma source(%dma_start3A_516 : memref<100000x2048xf32, #tpu.memory_space<hbm>>) target(%dma_start3A_512 : memref<8x2048xf32, #tpu.memory_space<vmem>>) offsets(%dma_start3A_513 : memref<8xi32, #tpu.memory_space<vmem>>) semaphore(%arg11 : memref<!tpu.dma_semaphore, #tpu.memory_space<semaphore_mem>>)
      %dma_wait3A_517 = arith.constant 0 : i32
      %dma_wait3A_518 = arith.constant 0 : i32
      %dma_wait3A_519 = arith.constant 0 : i32
      %dma_wait3A_520 = tpu.memref_slice %arg6[%dma_wait3A_517, %dma_wait3A_518, %dma_wait3A_519] : memref<6x8x2048xf32, #tpu.memory_space<vmem>> -> memref<1x8x2048xf32, #tpu.memory_space<vmem>>
      %dma_wait3A_521 = tpu.memref_squeeze %dma_wait3A_520 : memref<1x8x2048xf32, #tpu.memory_space<vmem>> -> memref<8x2048xf32, #tpu.memory_space<vmem>>
      %dma_wait3A_522 = arith.constant 0 : i32
      %dma_wait3A_523 = tpu.memref_slice %arg5[%dma_wait3A_522] : memref<512xi32, #tpu.memory_space<vmem>> -> memref<8xi32, #tpu.memory_space<vmem>>
      %dma_wait3A_524 = arith.constant 0 : i32
      %dma_wait3A_525 = arith.constant 0 : i32
      %dma_wait3A_526 = tpu.memref_slice %arg3[%dma_wait3A_524, %dma_wait3A_525] : memref<100000x2048xf32, #tpu.memory_space<hbm>> -> memref<100000x2048xf32, #tpu.memory_space<hbm>>
      tpu.wait_indirect_dma semaphore(%arg7 : memref<!tpu.dma_semaphore, #tpu.memory_space<semaphore_mem>>) src(%dma_wait3A_526 : memref<100000x2048xf32, #tpu.memory_space<hbm>>) dst(%dma_wait3A_521 : memref<8x2048xf32, #tpu.memory_space<vmem>>)
      %mul3A_527 = arith.constant 8 : i32
      %mul3A_528 = arith.muli %add3A_490, %mul3A_527 : i32
      %add3A_529 = arith.addi %mul3A_2, %mul3A_528 : i32
      %dma_start3A_530 = arith.constant 0 : i32
      %dma_start3A_531 = arith.constant 0 : i32
      %dma_start3A_532 = arith.constant 0 : i32
      %dma_start3A_533 = tpu.memref_slice %arg6[%dma_start3A_530, %dma_start3A_531, %dma_start3A_532] : memref<6x8x2048xf32, #tpu.memory_space<vmem>> -> memref<1x8x2048xf32, #tpu.memory_space<vmem>>
      %dma_start3A_534 = tpu.memref_squeeze %dma_start3A_533 : memref<1x8x2048xf32, #tpu.memory_space<vmem>> -> memref<8x2048xf32, #tpu.memory_space<vmem>>
      %dma_start3A_535 = arith.constant 0 : i32
      %dma_start3A_536 = tpu.memref_slice %arg4[%add3A_529, %dma_start3A_535] : memref<16384x2048xf32, #tpu.memory_space<hbm>> -> memref<8x2048xf32, #tpu.memory_space<hbm>>
      %dma_start3A_537 = arith.constant 0 : i32
      %dma_start3A_538 = tpu.memref_slice %arg4[%add3A_529, %dma_start3A_537] : memref<16384x2048xf32, #tpu.memory_space<hbm>> -> memref<8x2048xf32, #tpu.memory_space<hbm>>
      %dma_start3A_539 = arith.constant 0 : i32
      %dma_start3A_540 = arith.constant 0 : i32
      %dma_start3A_541 = tpu.memref_slice %arg6[%dma_start3A_530, %dma_start3A_539, %dma_start3A_540] : memref<6x8x2048xf32, #tpu.memory_space<vmem>> -> memref<1x8x2048xf32, #tpu.memory_space<vmem>>
      %dma_start3A_542 = tpu.memref_squeeze %dma_start3A_541 : memref<1x8x2048xf32, #tpu.memory_space<vmem>> -> memref<8x2048xf32, #tpu.memory_space<vmem>>
      tpu.enqueue_dma source(%dma_start3A_542 : memref<8x2048xf32, #tpu.memory_space<vmem>>) target(%dma_start3A_538 : memref<8x2048xf32, #tpu.memory_space<hbm>>) target_semaphore(%arg13 : memref<!tpu.dma_semaphore, #tpu.memory_space<semaphore_mem>>)
      %add3A_543 = arith.constant 1 : i32
      %add3A_544 = arith.addi %mul3A_488, %add3A_543 : i32
      %dma_wait3A_545 = arith.constant 5 : i32
      %dma_wait3A_546 = arith.constant 0 : i32
      %dma_wait3A_547 = arith.constant 0 : i32
      %dma_wait3A_548 = tpu.memref_slice %arg6[%dma_wait3A_545, %dma_wait3A_546, %dma_wait3A_547] : memref<6x8x2048xf32, #tpu.memory_space<vmem>> -> memref<1x8x2048xf32, #tpu.memory_space<vmem>>
      %dma_wait3A_549 = tpu.memref_squeeze %dma_wait3A_548 : memref<1x8x2048xf32, #tpu.memory_space<vmem>> -> memref<8x2048xf32, #tpu.memory_space<vmem>>
      %dma_wait3A_550 = arith.constant 0 : i32
      %dma_wait3A_551 = tpu.memref_slice %arg4[%mul3A_2, %dma_wait3A_550] : memref<16384x2048xf32, #tpu.memory_space<hbm>> -> memref<8x2048xf32, #tpu.memory_space<hbm>>
      %dma_wait3A_552 = arith.constant 0 : i32
      %dma_wait3A_553 = tpu.memref_slice %arg4[%mul3A_2, %dma_wait3A_552] : memref<16384x2048xf32, #tpu.memory_space<hbm>> -> memref<8x2048xf32, #tpu.memory_space<hbm>>
      %dma_wait3A_554 = arith.constant 0 : i32
      %dma_wait3A_555 = arith.constant 0 : i32
      %dma_wait3A_556 = tpu.memref_slice %arg6[%dma_wait3A_545, %dma_wait3A_554, %dma_wait3A_555] : memref<6x8x2048xf32, #tpu.memory_space<vmem>> -> memref<1x8x2048xf32, #tpu.memory_space<vmem>>
      %dma_wait3A_557 = tpu.memref_squeeze %dma_wait3A_556 : memref<1x8x2048xf32, #tpu.memory_space<vmem>> -> memref<8x2048xf32, #tpu.memory_space<vmem>>
      tpu.wait_dma2 semaphore(%arg18 : memref<!tpu.dma_semaphore, #tpu.memory_space<semaphore_mem>>) src(%dma_wait3A_557 : memref<8x2048xf32, #tpu.memory_space<vmem>>) dst(%dma_wait3A_553 : memref<8x2048xf32, #tpu.memory_space<hbm>>)
      %add3A_558 = arith.constant 4 : i32
      %add3A_559 = arith.addi %add3A_544, %add3A_558 : i32
      %mul3A_560 = arith.constant 8 : i32
      %mul3A_561 = arith.muli %add3A_559, %mul3A_560 : i32
      %dma_start3A_562 = arith.constant 5 : i32
      %dma_start3A_563 = arith.constant 0 : i32
      %dma_start3A_564 = arith.constant 0 : i32
      %dma_start3A_565 = tpu.memref_slice %arg6[%dma_start3A_562, %dma_start3A_563, %dma_start3A_564] : memref<6x8x2048xf32, #tpu.memory_space<vmem>> -> memref<1x8x2048xf32, #tpu.memory_space<vmem>>
      %dma_start3A_566 = tpu.memref_squeeze %dma_start3A_565 : memref<1x8x2048xf32, #tpu.memory_space<vmem>> -> memref<8x2048xf32, #tpu.memory_space<vmem>>
      %dma_start3A_567 = tpu.memref_slice %arg5[%mul3A_561] : memref<512xi32, #tpu.memory_space<vmem>> -> memref<8xi32, #tpu.memory_space<vmem>>
      %dma_start3A_568 = arith.constant 0 : i32
      %dma_start3A_569 = arith.constant 0 : i32
      %dma_start3A_570 = tpu.memref_slice %arg3[%dma_start3A_568, %dma_start3A_569] : memref<100000x2048xf32, #tpu.memory_space<hbm>> -> memref<100000x2048xf32, #tpu.memory_space<hbm>>
      tpu.enqueue_indirect_dma source(%dma_start3A_570 : memref<100000x2048xf32, #tpu.memory_space<hbm>>) target(%dma_start3A_566 : memref<8x2048xf32, #tpu.memory_space<vmem>>) offsets(%dma_start3A_567 : memref<8xi32, #tpu.memory_space<vmem>>) semaphore(%arg12 : memref<!tpu.dma_semaphore, #tpu.memory_space<semaphore_mem>>)
      %dma_wait3A_571 = arith.constant 1 : i32
      %dma_wait3A_572 = arith.constant 0 : i32
      %dma_wait3A_573 = arith.constant 0 : i32
      %dma_wait3A_574 = tpu.memref_slice %arg6[%dma_wait3A_571, %dma_wait3A_572, %dma_wait3A_573] : memref<6x8x2048xf32, #tpu.memory_space<vmem>> -> memref<1x8x2048xf32, #tpu.memory_space<vmem>>
      %dma_wait3A_575 = tpu.memref_squeeze %dma_wait3A_574 : memref<1x8x2048xf32, #tpu.memory_space<vmem>> -> memref<8x2048xf32, #tpu.memory_space<vmem>>
      %dma_wait3A_576 = arith.constant 0 : i32
      %dma_wait3A_577 = tpu.memref_slice %arg5[%dma_wait3A_576] : memref<512xi32, #tpu.memory_space<vmem>> -> memref<8xi32, #tpu.memory_space<vmem>>
      %dma_wait3A_578 = arith.constant 0 : i32
      %dma_wait3A_579 = arith.constant 0 : i32
      %dma_wait3A_580 = tpu.memref_slice %arg3[%dma_wait3A_578, %dma_wait3A_579] : memref<100000x2048xf32, #tpu.memory_space<hbm>> -> memref<100000x2048xf32, #tpu.memory_space<hbm>>
      tpu.wait_indirect_dma semaphore(%arg8 : memref<!tpu.dma_semaphore, #tpu.memory_space<semaphore_mem>>) src(%dma_wait3A_580 : memref<100000x2048xf32, #tpu.memory_space<hbm>>) dst(%dma_wait3A_575 : memref<8x2048xf32, #tpu.memory_space<vmem>>)
      %mul3A_581 = arith.constant 8 : i32
      %mul3A_582 = arith.muli %add3A_544, %mul3A_581 : i32
      %add3A_583 = arith.addi %mul3A_2, %mul3A_582 : i32
      %dma_start3A_584 = arith.constant 1 : i32
      %dma_start3A_585 = arith.constant 0 : i32
      %dma_start3A_586 = arith.constant 0 : i32
      %dma_start3A_587 = tpu.memref_slice %arg6[%dma_start3A_584, %dma_start3A_585, %dma_start3A_586] : memref<6x8x2048xf32, #tpu.memory_space<vmem>> -> memref<1x8x2048xf32, #tpu.memory_space<vmem>>
      %dma_start3A_588 = tpu.memref_squeeze %dma_start3A_587 : memref<1x8x2048xf32, #tpu.memory_space<vmem>> -> memref<8x2048xf32, #tpu.memory_space<vmem>>
      %dma_start3A_589 = arith.constant 0 : i32
      %dma_start3A_590 = tpu.memref_slice %arg4[%add3A_583, %dma_start3A_589] : memref<16384x2048xf32, #tpu.memory_space<hbm>> -> memref<8x2048xf32, #tpu.memory_space<hbm>>
      %dma_start3A_591 = arith.constant 0 : i32
      %dma_start3A_592 = tpu.memref_slice %arg4[%add3A_583, %dma_start3A_591] : memref<16384x2048xf32, #tpu.memory_space<hbm>> -> memref<8x2048xf32, #tpu.memory_space<hbm>>
      %dma_start3A_593 = arith.constant 0 : i32
      %dma_start3A_594 = arith.constant 0 : i32
      %dma_start3A_595 = tpu.memref_slice %arg6[%dma_start3A_584, %dma_start3A_593, %dma_start3A_594] : memref<6x8x2048xf32, #tpu.memory_space<vmem>> -> memref<1x8x2048xf32, #tpu.memory_space<vmem>>
      %dma_start3A_596 = tpu.memref_squeeze %dma_start3A_595 : memref<1x8x2048xf32, #tpu.memory_space<vmem>> -> memref<8x2048xf32, #tpu.memory_space<vmem>>
      tpu.enqueue_dma source(%dma_start3A_596 : memref<8x2048xf32, #tpu.memory_space<vmem>>) target(%dma_start3A_592 : memref<8x2048xf32, #tpu.memory_space<hbm>>) target_semaphore(%arg14 : memref<!tpu.dma_semaphore, #tpu.memory_space<semaphore_mem>>)
      %add3A_597 = arith.constant 2 : i32
      %add3A_598 = arith.addi %mul3A_488, %add3A_597 : i32
      %dma_wait3A_599 = arith.constant 0 : i32
      %dma_wait3A_600 = arith.constant 0 : i32
      %dma_wait3A_601 = arith.constant 0 : i32
      %dma_wait3A_602 = tpu.memref_slice %arg6[%dma_wait3A_599, %dma_wait3A_600, %dma_wait3A_601] : memref<6x8x2048xf32, #tpu.memory_space<vmem>> -> memref<1x8x2048xf32, #tpu.memory_space<vmem>>
      %dma_wait3A_603 = tpu.memref_squeeze %dma_wait3A_602 : memref<1x8x2048xf32, #tpu.memory_space<vmem>> -> memref<8x2048xf32, #tpu.memory_space<vmem>>
      %dma_wait3A_604 = arith.constant 0 : i32
      %dma_wait3A_605 = tpu.memref_slice %arg4[%mul3A_2, %dma_wait3A_604] : memref<16384x2048xf32, #tpu.memory_space<hbm>> -> memref<8x2048xf32, #tpu.memory_space<hbm>>
      %dma_wait3A_606 = arith.constant 0 : i32
      %dma_wait3A_607 = tpu.memref_slice %arg4[%mul3A_2, %dma_wait3A_606] : memref<16384x2048xf32, #tpu.memory_space<hbm>> -> memref<8x2048xf32, #tpu.memory_space<hbm>>
      %dma_wait3A_608 = arith.constant 0 : i32
      %dma_wait3A_609 = arith.constant 0 : i32
      %dma_wait3A_610 = tpu.memref_slice %arg6[%dma_wait3A_599, %dma_wait3A_608, %dma_wait3A_609] : memref<6x8x2048xf32, #tpu.memory_space<vmem>> -> memref<1x8x2048xf32, #tpu.memory_space<vmem>>
      %dma_wait3A_611 = tpu.memref_squeeze %dma_wait3A_610 : memref<1x8x2048xf32, #tpu.memory_space<vmem>> -> memref<8x2048xf32, #tpu.memory_space<vmem>>
      tpu.wait_dma2 semaphore(%arg13 : memref<!tpu.dma_semaphore, #tpu.memory_space<semaphore_mem>>) src(%dma_wait3A_611 : memref<8x2048xf32, #tpu.memory_space<vmem>>) dst(%dma_wait3A_607 : memref<8x2048xf32, #tpu.memory_space<hbm>>)
      %add3A_612 = arith.constant 4 : i32
      %add3A_613 = arith.addi %add3A_598, %add3A_612 : i32
      %mul3A_614 = arith.constant 8 : i32
      %mul3A_615 = arith.muli %add3A_613, %mul3A_614 : i32
      %dma_start3A_616 = arith.constant 0 : i32
      %dma_start3A_617 = arith.constant 0 : i32
      %dma_start3A_618 = arith.constant 0 : i32
      %dma_start3A_619 = tpu.memref_slice %arg6[%dma_start3A_616, %dma_start3A_617, %dma_start3A_618] : memref<6x8x2048xf32, #tpu.memory_space<vmem>> -> memref<1x8x2048xf32, #tpu.memory_space<vmem>>
      %dma_start3A_620 = tpu.memref_squeeze %dma_start3A_619 : memref<1x8x2048xf32, #tpu.memory_space<vmem>> -> memref<8x2048xf32, #tpu.memory_space<vmem>>
      %dma_start3A_621 = tpu.memref_slice %arg5[%mul3A_615] : memref<512xi32, #tpu.memory_space<vmem>> -> memref<8xi32, #tpu.memory_space<vmem>>
      %dma_start3A_622 = arith.constant 0 : i32
      %dma_start3A_623 = arith.constant 0 : i32
      %dma_start3A_624 = tpu.memref_slice %arg3[%dma_start3A_622, %dma_start3A_623] : memref<100000x2048xf32, #tpu.memory_space<hbm>> -> memref<100000x2048xf32, #tpu.memory_space<hbm>>
      tpu.enqueue_indirect_dma source(%dma_start3A_624 : memref<100000x2048xf32, #tpu.memory_space<hbm>>) target(%dma_start3A_620 : memref<8x2048xf32, #tpu.memory_space<vmem>>) offsets(%dma_start3A_621 : memref<8xi32, #tpu.memory_space<vmem>>) semaphore(%arg7 : memref<!tpu.dma_semaphore, #tpu.memory_space<semaphore_mem>>)
      %dma_wait3A_625 = arith.constant 2 : i32
      %dma_wait3A_626 = arith.constant 0 : i32
      %dma_wait3A_627 = arith.constant 0 : i32
      %dma_wait3A_628 = tpu.memref_slice %arg6[%dma_wait3A_625, %dma_wait3A_626, %dma_wait3A_627] : memref<6x8x2048xf32, #tpu.memory_space<vmem>> -> memref<1x8x2048xf32, #tpu.memory_space<vmem>>
      %dma_wait3A_629 = tpu.memref_squeeze %dma_wait3A_628 : memref<1x8x2048xf32, #tpu.memory_space<vmem>> -> memref<8x2048xf32, #tpu.memory_space<vmem>>
      %dma_wait3A_630 = arith.constant 0 : i32
      %dma_wait3A_631 = tpu.memref_slice %arg5[%dma_wait3A_630] : memref<512xi32, #tpu.memory_space<vmem>> -> memref<8xi32, #tpu.memory_space<vmem>>
      %dma_wait3A_632 = arith.constant 0 : i32
      %dma_wait3A_633 = arith.constant 0 : i32
      %dma_wait3A_634 = tpu.memref_slice %arg3[%dma_wait3A_632, %dma_wait3A_633] : memref<100000x2048xf32, #tpu.memory_space<hbm>> -> memref<100000x2048xf32, #tpu.memory_space<hbm>>
      tpu.wait_indirect_dma semaphore(%arg9 : memref<!tpu.dma_semaphore, #tpu.memory_space<semaphore_mem>>) src(%dma_wait3A_634 : memref<100000x2048xf32, #tpu.memory_space<hbm>>) dst(%dma_wait3A_629 : memref<8x2048xf32, #tpu.memory_space<vmem>>)
      %mul3A_635 = arith.constant 8 : i32
      %mul3A_636 = arith.muli %add3A_598, %mul3A_635 : i32
      %add3A_637 = arith.addi %mul3A_2, %mul3A_636 : i32
      %dma_start3A_638 = arith.constant 2 : i32
      %dma_start3A_639 = arith.constant 0 : i32
      %dma_start3A_640 = arith.constant 0 : i32
      %dma_start3A_641 = tpu.memref_slice %arg6[%dma_start3A_638, %dma_start3A_639, %dma_start3A_640] : memref<6x8x2048xf32, #tpu.memory_space<vmem>> -> memref<1x8x2048xf32, #tpu.memory_space<vmem>>
      %dma_start3A_642 = tpu.memref_squeeze %dma_start3A_641 : memref<1x8x2048xf32, #tpu.memory_space<vmem>> -> memref<8x2048xf32, #tpu.memory_space<vmem>>
      %dma_start3A_643 = arith.constant 0 : i32
      %dma_start3A_644 = tpu.memref_slice %arg4[%add3A_637, %dma_start3A_643] : memref<16384x2048xf32, #tpu.memory_space<hbm>> -> memref<8x2048xf32, #tpu.memory_space<hbm>>
      %dma_start3A_645 = arith.constant 0 : i32
      %dma_start3A_646 = tpu.memref_slice %arg4[%add3A_637, %dma_start3A_645] : memref<16384x2048xf32, #tpu.memory_space<hbm>> -> memref<8x2048xf32, #tpu.memory_space<hbm>>
      %dma_start3A_647 = arith.constant 0 : i32
      %dma_start3A_648 = arith.constant 0 : i32
      %dma_start3A_649 = tpu.memref_slice %arg6[%dma_start3A_638, %dma_start3A_647, %dma_start3A_648] : memref<6x8x2048xf32, #tpu.memory_space<vmem>> -> memref<1x8x2048xf32, #tpu.memory_space<vmem>>
      %dma_start3A_650 = tpu.memref_squeeze %dma_start3A_649 : memref<1x8x2048xf32, #tpu.memory_space<vmem>> -> memref<8x2048xf32, #tpu.memory_space<vmem>>
      tpu.enqueue_dma source(%dma_start3A_650 : memref<8x2048xf32, #tpu.memory_space<vmem>>) target(%dma_start3A_646 : memref<8x2048xf32, #tpu.memory_space<hbm>>) target_semaphore(%arg15 : memref<!tpu.dma_semaphore, #tpu.memory_space<semaphore_mem>>)
      %add3A_651 = arith.constant 3 : i32
      %add3A_652 = arith.addi %mul3A_488, %add3A_651 : i32
      %dma_wait3A_653 = arith.constant 1 : i32
      %dma_wait3A_654 = arith.constant 0 : i32
      %dma_wait3A_655 = arith.constant 0 : i32
      %dma_wait3A_656 = tpu.memref_slice %arg6[%dma_wait3A_653, %dma_wait3A_654, %dma_wait3A_655] : memref<6x8x2048xf32, #tpu.memory_space<vmem>> -> memref<1x8x2048xf32, #tpu.memory_space<vmem>>
      %dma_wait3A_657 = tpu.memref_squeeze %dma_wait3A_656 : memref<1x8x2048xf32, #tpu.memory_space<vmem>> -> memref<8x2048xf32, #tpu.memory_space<vmem>>
      %dma_wait3A_658 = arith.constant 0 : i32
      %dma_wait3A_659 = tpu.memref_slice %arg4[%mul3A_2, %dma_wait3A_658] : memref<16384x2048xf32, #tpu.memory_space<hbm>> -> memref<8x2048xf32, #tpu.memory_space<hbm>>
      %dma_wait3A_660 = arith.constant 0 : i32
      %dma_wait3A_661 = tpu.memref_slice %arg4[%mul3A_2, %dma_wait3A_660] : memref<16384x2048xf32, #tpu.memory_space<hbm>> -> memref<8x2048xf32, #tpu.memory_space<hbm>>
      %dma_wait3A_662 = arith.constant 0 : i32
      %dma_wait3A_663 = arith.constant 0 : i32
      %dma_wait3A_664 = tpu.memref_slice %arg6[%dma_wait3A_653, %dma_wait3A_662, %dma_wait3A_663] : memref<6x8x2048xf32, #tpu.memory_space<vmem>> -> memref<1x8x2048xf32, #tpu.memory_space<vmem>>
      %dma_wait3A_665 = tpu.memref_squeeze %dma_wait3A_664 : memref<1x8x2048xf32, #tpu.memory_space<vmem>> -> memref<8x2048xf32, #tpu.memory_space<vmem>>
      tpu.wait_dma2 semaphore(%arg14 : memref<!tpu.dma_semaphore, #tpu.memory_space<semaphore_mem>>) src(%dma_wait3A_665 : memref<8x2048xf32, #tpu.memory_space<vmem>>) dst(%dma_wait3A_661 : memref<8x2048xf32, #tpu.memory_space<hbm>>)
      %add3A_666 = arith.constant 4 : i32
      %add3A_667 = arith.addi %add3A_652, %add3A_666 : i32
      %mul3A_668 = arith.constant 8 : i32
      %mul3A_669 = arith.muli %add3A_667, %mul3A_668 : i32
      %dma_start3A_670 = arith.constant 1 : i32
      %dma_start3A_671 = arith.constant 0 : i32
      %dma_start3A_672 = arith.constant 0 : i32
      %dma_start3A_673 = tpu.memref_slice %arg6[%dma_start3A_670, %dma_start3A_671, %dma_start3A_672] : memref<6x8x2048xf32, #tpu.memory_space<vmem>> -> memref<1x8x2048xf32, #tpu.memory_space<vmem>>
      %dma_start3A_674 = tpu.memref_squeeze %dma_start3A_673 : memref<1x8x2048xf32, #tpu.memory_space<vmem>> -> memref<8x2048xf32, #tpu.memory_space<vmem>>
      %dma_start3A_675 = tpu.memref_slice %arg5[%mul3A_669] : memref<512xi32, #tpu.memory_space<vmem>> -> memref<8xi32, #tpu.memory_space<vmem>>
      %dma_start3A_676 = arith.constant 0 : i32
      %dma_start3A_677 = arith.constant 0 : i32
      %dma_start3A_678 = tpu.memref_slice %arg3[%dma_start3A_676, %dma_start3A_677] : memref<100000x2048xf32, #tpu.memory_space<hbm>> -> memref<100000x2048xf32, #tpu.memory_space<hbm>>
      tpu.enqueue_indirect_dma source(%dma_start3A_678 : memref<100000x2048xf32, #tpu.memory_space<hbm>>) target(%dma_start3A_674 : memref<8x2048xf32, #tpu.memory_space<vmem>>) offsets(%dma_start3A_675 : memref<8xi32, #tpu.memory_space<vmem>>) semaphore(%arg8 : memref<!tpu.dma_semaphore, #tpu.memory_space<semaphore_mem>>)
      %dma_wait3A_679 = arith.constant 3 : i32
      %dma_wait3A_680 = arith.constant 0 : i32
      %dma_wait3A_681 = arith.constant 0 : i32
      %dma_wait3A_682 = tpu.memref_slice %arg6[%dma_wait3A_679, %dma_wait3A_680, %dma_wait3A_681] : memref<6x8x2048xf32, #tpu.memory_space<vmem>> -> memref<1x8x2048xf32, #tpu.memory_space<vmem>>
      %dma_wait3A_683 = tpu.memref_squeeze %dma_wait3A_682 : memref<1x8x2048xf32, #tpu.memory_space<vmem>> -> memref<8x2048xf32, #tpu.memory_space<vmem>>
      %dma_wait3A_684 = arith.constant 0 : i32
      %dma_wait3A_685 = tpu.memref_slice %arg5[%dma_wait3A_684] : memref<512xi32, #tpu.memory_space<vmem>> -> memref<8xi32, #tpu.memory_space<vmem>>
      %dma_wait3A_686 = arith.constant 0 : i32
      %dma_wait3A_687 = arith.constant 0 : i32
      %dma_wait3A_688 = tpu.memref_slice %arg3[%dma_wait3A_686, %dma_wait3A_687] : memref<100000x2048xf32, #tpu.memory_space<hbm>> -> memref<100000x2048xf32, #tpu.memory_space<hbm>>
      tpu.wait_indirect_dma semaphore(%arg10 : memref<!tpu.dma_semaphore, #tpu.memory_space<semaphore_mem>>) src(%dma_wait3A_688 : memref<100000x2048xf32, #tpu.memory_space<hbm>>) dst(%dma_wait3A_683 : memref<8x2048xf32, #tpu.memory_space<vmem>>)
      %mul3A_689 = arith.constant 8 : i32
      %mul3A_690 = arith.muli %add3A_652, %mul3A_689 : i32
      %add3A_691 = arith.addi %mul3A_2, %mul3A_690 : i32
      %dma_start3A_692 = arith.constant 3 : i32
      %dma_start3A_693 = arith.constant 0 : i32
      %dma_start3A_694 = arith.constant 0 : i32
      %dma_start3A_695 = tpu.memref_slice %arg6[%dma_start3A_692, %dma_start3A_693, %dma_start3A_694] : memref<6x8x2048xf32, #tpu.memory_space<vmem>> -> memref<1x8x2048xf32, #tpu.memory_space<vmem>>
      %dma_start3A_696 = tpu.memref_squeeze %dma_start3A_695 : memref<1x8x2048xf32, #tpu.memory_space<vmem>> -> memref<8x2048xf32, #tpu.memory_space<vmem>>
      %dma_start3A_697 = arith.constant 0 : i32
      %dma_start3A_698 = tpu.memref_slice %arg4[%add3A_691, %dma_start3A_697] : memref<16384x2048xf32, #tpu.memory_space<hbm>> -> memref<8x2048xf32, #tpu.memory_space<hbm>>
      %dma_start3A_699 = arith.constant 0 : i32
      %dma_start3A_700 = tpu.memref_slice %arg4[%add3A_691, %dma_start3A_699] : memref<16384x2048xf32, #tpu.memory_space<hbm>> -> memref<8x2048xf32, #tpu.memory_space<hbm>>
      %dma_start3A_701 = arith.constant 0 : i32
      %dma_start3A_702 = arith.constant 0 : i32
      %dma_start3A_703 = tpu.memref_slice %arg6[%dma_start3A_692, %dma_start3A_701, %dma_start3A_702] : memref<6x8x2048xf32, #tpu.memory_space<vmem>> -> memref<1x8x2048xf32, #tpu.memory_space<vmem>>
      %dma_start3A_704 = tpu.memref_squeeze %dma_start3A_703 : memref<1x8x2048xf32, #tpu.memory_space<vmem>> -> memref<8x2048xf32, #tpu.memory_space<vmem>>
      tpu.enqueue_dma source(%dma_start3A_704 : memref<8x2048xf32, #tpu.memory_space<vmem>>) target(%dma_start3A_700 : memref<8x2048xf32, #tpu.memory_space<hbm>>) target_semaphore(%arg16 : memref<!tpu.dma_semaphore, #tpu.memory_space<semaphore_mem>>)
      %add3A_705 = arith.constant 4 : i32
      %add3A_706 = arith.addi %mul3A_488, %add3A_705 : i32
      %dma_wait3A_707 = arith.constant 2 : i32
      %dma_wait3A_708 = arith.constant 0 : i32
      %dma_wait3A_709 = arith.constant 0 : i32
      %dma_wait3A_710 = tpu.memref_slice %arg6[%dma_wait3A_707, %dma_wait3A_708, %dma_wait3A_709] : memref<6x8x2048xf32, #tpu.memory_space<vmem>> -> memref<1x8x2048xf32, #tpu.memory_space<vmem>>
      %dma_wait3A_711 = tpu.memref_squeeze %dma_wait3A_710 : memref<1x8x2048xf32, #tpu.memory_space<vmem>> -> memref<8x2048xf32, #tpu.memory_space<vmem>>
      %dma_wait3A_712 = arith.constant 0 : i32
      %dma_wait3A_713 = tpu.memref_slice %arg4[%mul3A_2, %dma_wait3A_712] : memref<16384x2048xf32, #tpu.memory_space<hbm>> -> memref<8x2048xf32, #tpu.memory_space<hbm>>
      %dma_wait3A_714 = arith.constant 0 : i32
      %dma_wait3A_715 = tpu.memref_slice %arg4[%mul3A_2, %dma_wait3A_714] : memref<16384x2048xf32, #tpu.memory_space<hbm>> -> memref<8x2048xf32, #tpu.memory_space<hbm>>
      %dma_wait3A_716 = arith.constant 0 : i32
      %dma_wait3A_717 = arith.constant 0 : i32
      %dma_wait3A_718 = tpu.memref_slice %arg6[%dma_wait3A_707, %dma_wait3A_716, %dma_wait3A_717] : memref<6x8x2048xf32, #tpu.memory_space<vmem>> -> memref<1x8x2048xf32, #tpu.memory_space<vmem>>
      %dma_wait3A_719 = tpu.memref_squeeze %dma_wait3A_718 : memref<1x8x2048xf32, #tpu.memory_space<vmem>> -> memref<8x2048xf32, #tpu.memory_space<vmem>>
      tpu.wait_dma2 semaphore(%arg15 : memref<!tpu.dma_semaphore, #tpu.memory_space<semaphore_mem>>) src(%dma_wait3A_719 : memref<8x2048xf32, #tpu.memory_space<vmem>>) dst(%dma_wait3A_715 : memref<8x2048xf32, #tpu.memory_space<hbm>>)
      %add3A_720 = arith.constant 4 : i32
      %add3A_721 = arith.addi %add3A_706, %add3A_720 : i32
      %mul3A_722 = arith.constant 8 : i32
      %mul3A_723 = arith.muli %add3A_721, %mul3A_722 : i32
      %dma_start3A_724 = arith.constant 2 : i32
      %dma_start3A_725 = arith.constant 0 : i32
      %dma_start3A_726 = arith.constant 0 : i32
      %dma_start3A_727 = tpu.memref_slice %arg6[%dma_start3A_724, %dma_start3A_725, %dma_start3A_726] : memref<6x8x2048xf32, #tpu.memory_space<vmem>> -> memref<1x8x2048xf32, #tpu.memory_space<vmem>>
      %dma_start3A_728 = tpu.memref_squeeze %dma_start3A_727 : memref<1x8x2048xf32, #tpu.memory_space<vmem>> -> memref<8x2048xf32, #tpu.memory_space<vmem>>
      %dma_start3A_729 = tpu.memref_slice %arg5[%mul3A_723] : memref<512xi32, #tpu.memory_space<vmem>> -> memref<8xi32, #tpu.memory_space<vmem>>
      %dma_start3A_730 = arith.constant 0 : i32
      %dma_start3A_731 = arith.constant 0 : i32
      %dma_start3A_732 = tpu.memref_slice %arg3[%dma_start3A_730, %dma_start3A_731] : memref<100000x2048xf32, #tpu.memory_space<hbm>> -> memref<100000x2048xf32, #tpu.memory_space<hbm>>
      tpu.enqueue_indirect_dma source(%dma_start3A_732 : memref<100000x2048xf32, #tpu.memory_space<hbm>>) target(%dma_start3A_728 : memref<8x2048xf32, #tpu.memory_space<vmem>>) offsets(%dma_start3A_729 : memref<8xi32, #tpu.memory_space<vmem>>) semaphore(%arg9 : memref<!tpu.dma_semaphore, #tpu.memory_space<semaphore_mem>>)
      %dma_wait3A_733 = arith.constant 4 : i32
      %dma_wait3A_734 = arith.constant 0 : i32
      %dma_wait3A_735 = arith.constant 0 : i32
      %dma_wait3A_736 = tpu.memref_slice %arg6[%dma_wait3A_733, %dma_wait3A_734, %dma_wait3A_735] : memref<6x8x2048xf32, #tpu.memory_space<vmem>> -> memref<1x8x2048xf32, #tpu.memory_space<vmem>>
      %dma_wait3A_737 = tpu.memref_squeeze %dma_wait3A_736 : memref<1x8x2048xf32, #tpu.memory_space<vmem>> -> memref<8x2048xf32, #tpu.memory_space<vmem>>
      %dma_wait3A_738 = arith.constant 0 : i32
      %dma_wait3A_739 = tpu.memref_slice %arg5[%dma_wait3A_738] : memref<512xi32, #tpu.memory_space<vmem>> -> memref<8xi32, #tpu.memory_space<vmem>>
      %dma_wait3A_740 = arith.constant 0 : i32
      %dma_wait3A_741 = arith.constant 0 : i32
      %dma_wait3A_742 = tpu.memref_slice %arg3[%dma_wait3A_740, %dma_wait3A_741] : memref<100000x2048xf32, #tpu.memory_space<hbm>> -> memref<100000x2048xf32, #tpu.memory_space<hbm>>
      tpu.wait_indirect_dma semaphore(%arg11 : memref<!tpu.dma_semaphore, #tpu.memory_space<semaphore_mem>>) src(%dma_wait3A_742 : memref<100000x2048xf32, #tpu.memory_space<hbm>>) dst(%dma_wait3A_737 : memref<8x2048xf32, #tpu.memory_space<vmem>>)
      %mul3A_743 = arith.constant 8 : i32
      %mul3A_744 = arith.muli %add3A_706, %mul3A_743 : i32
      %add3A_745 = arith.addi %mul3A_2, %mul3A_744 : i32
      %dma_start3A_746 = arith.constant 4 : i32
      %dma_start3A_747 = arith.constant 0 : i32
      %dma_start3A_748 = arith.constant 0 : i32
      %dma_start3A_749 = tpu.memref_slice %arg6[%dma_start3A_746, %dma_start3A_747, %dma_start3A_748] : memref<6x8x2048xf32, #tpu.memory_space<vmem>> -> memref<1x8x2048xf32, #tpu.memory_space<vmem>>
      %dma_start3A_750 = tpu.memref_squeeze %dma_start3A_749 : memref<1x8x2048xf32, #tpu.memory_space<vmem>> -> memref<8x2048xf32, #tpu.memory_space<vmem>>
      %dma_start3A_751 = arith.constant 0 : i32
      %dma_start3A_752 = tpu.memref_slice %arg4[%add3A_745, %dma_start3A_751] : memref<16384x2048xf32, #tpu.memory_space<hbm>> -> memref<8x2048xf32, #tpu.memory_space<hbm>>
      %dma_start3A_753 = arith.constant 0 : i32
      %dma_start3A_754 = tpu.memref_slice %arg4[%add3A_745, %dma_start3A_753] : memref<16384x2048xf32, #tpu.memory_space<hbm>> -> memref<8x2048xf32, #tpu.memory_space<hbm>>
      %dma_start3A_755 = arith.constant 0 : i32
      %dma_start3A_756 = arith.constant 0 : i32
      %dma_start3A_757 = tpu.memref_slice %arg6[%dma_start3A_746, %dma_start3A_755, %dma_start3A_756] : memref<6x8x2048xf32, #tpu.memory_space<vmem>> -> memref<1x8x2048xf32, #tpu.memory_space<vmem>>
      %dma_start3A_758 = tpu.memref_squeeze %dma_start3A_757 : memref<1x8x2048xf32, #tpu.memory_space<vmem>> -> memref<8x2048xf32, #tpu.memory_space<vmem>>
      tpu.enqueue_dma source(%dma_start3A_758 : memref<8x2048xf32, #tpu.memory_space<vmem>>) target(%dma_start3A_754 : memref<8x2048xf32, #tpu.memory_space<hbm>>) target_semaphore(%arg17 : memref<!tpu.dma_semaphore, #tpu.memory_space<semaphore_mem>>)
      %add3A_759 = arith.constant 5 : i32
      %add3A_760 = arith.addi %mul3A_488, %add3A_759 : i32
      %dma_wait3A_761 = arith.constant 3 : i32
      %dma_wait3A_762 = arith.constant 0 : i32
      %dma_wait3A_763 = arith.constant 0 : i32
      %dma_wait3A_764 = tpu.memref_slice %arg6[%dma_wait3A_761, %dma_wait3A_762, %dma_wait3A_763] : memref<6x8x2048xf32, #tpu.memory_space<vmem>> -> memref<1x8x2048xf32, #tpu.memory_space<vmem>>
      %dma_wait3A_765 = tpu.memref_squeeze %dma_wait3A_764 : memref<1x8x2048xf32, #tpu.memory_space<vmem>> -> memref<8x2048xf32, #tpu.memory_space<vmem>>
      %dma_wait3A_766 = arith.constant 0 : i32
      %dma_wait3A_767 = tpu.memref_slice %arg4[%mul3A_2, %dma_wait3A_766] : memref<16384x2048xf32, #tpu.memory_space<hbm>> -> memref<8x2048xf32, #tpu.memory_space<hbm>>
      %dma_wait3A_768 = arith.constant 0 : i32
      %dma_wait3A_769 = tpu.memref_slice %arg4[%mul3A_2, %dma_wait3A_768] : memref<16384x2048xf32, #tpu.memory_space<hbm>> -> memref<8x2048xf32, #tpu.memory_space<hbm>>
      %dma_wait3A_770 = arith.constant 0 : i32
      %dma_wait3A_771 = arith.constant 0 : i32
      %dma_wait3A_772 = tpu.memref_slice %arg6[%dma_wait3A_761, %dma_wait3A_770, %dma_wait3A_771] : memref<6x8x2048xf32, #tpu.memory_space<vmem>> -> memref<1x8x2048xf32, #tpu.memory_space<vmem>>
      %dma_wait3A_773 = tpu.memref_squeeze %dma_wait3A_772 : memref<1x8x2048xf32, #tpu.memory_space<vmem>> -> memref<8x2048xf32, #tpu.memory_space<vmem>>
      tpu.wait_dma2 semaphore(%arg16 : memref<!tpu.dma_semaphore, #tpu.memory_space<semaphore_mem>>) src(%dma_wait3A_773 : memref<8x2048xf32, #tpu.memory_space<vmem>>) dst(%dma_wait3A_769 : memref<8x2048xf32, #tpu.memory_space<hbm>>)
      %add3A_774 = arith.constant 4 : i32
      %add3A_775 = arith.addi %add3A_760, %add3A_774 : i32
      %mul3A_776 = arith.constant 8 : i32
      %mul3A_777 = arith.muli %add3A_775, %mul3A_776 : i32
      %dma_start3A_778 = arith.constant 3 : i32
      %dma_start3A_779 = arith.constant 0 : i32
      %dma_start3A_780 = arith.constant 0 : i32
      %dma_start3A_781 = tpu.memref_slice %arg6[%dma_start3A_778, %dma_start3A_779, %dma_start3A_780] : memref<6x8x2048xf32, #tpu.memory_space<vmem>> -> memref<1x8x2048xf32, #tpu.memory_space<vmem>>
      %dma_start3A_782 = tpu.memref_squeeze %dma_start3A_781 : memref<1x8x2048xf32, #tpu.memory_space<vmem>> -> memref<8x2048xf32, #tpu.memory_space<vmem>>
      %dma_start3A_783 = tpu.memref_slice %arg5[%mul3A_777] : memref<512xi32, #tpu.memory_space<vmem>> -> memref<8xi32, #tpu.memory_space<vmem>>
      %dma_start3A_784 = arith.constant 0 : i32
      %dma_start3A_785 = arith.constant 0 : i32
      %dma_start3A_786 = tpu.memref_slice %arg3[%dma_start3A_784, %dma_start3A_785] : memref<100000x2048xf32, #tpu.memory_space<hbm>> -> memref<100000x2048xf32, #tpu.memory_space<hbm>>
      tpu.enqueue_indirect_dma source(%dma_start3A_786 : memref<100000x2048xf32, #tpu.memory_space<hbm>>) target(%dma_start3A_782 : memref<8x2048xf32, #tpu.memory_space<vmem>>) offsets(%dma_start3A_783 : memref<8xi32, #tpu.memory_space<vmem>>) semaphore(%arg10 : memref<!tpu.dma_semaphore, #tpu.memory_space<semaphore_mem>>)
      %dma_wait3A_787 = arith.constant 5 : i32
      %dma_wait3A_788 = arith.constant 0 : i32
      %dma_wait3A_789 = arith.constant 0 : i32
      %dma_wait3A_790 = tpu.memref_slice %arg6[%dma_wait3A_787, %dma_wait3A_788, %dma_wait3A_789] : memref<6x8x2048xf32, #tpu.memory_space<vmem>> -> memref<1x8x2048xf32, #tpu.memory_space<vmem>>
      %dma_wait3A_791 = tpu.memref_squeeze %dma_wait3A_790 : memref<1x8x2048xf32, #tpu.memory_space<vmem>> -> memref<8x2048xf32, #tpu.memory_space<vmem>>
      %dma_wait3A_792 = arith.constant 0 : i32
      %dma_wait3A_793 = tpu.memref_slice %arg5[%dma_wait3A_792] : memref<512xi32, #tpu.memory_space<vmem>> -> memref<8xi32, #tpu.memory_space<vmem>>
      %dma_wait3A_794 = arith.constant 0 : i32
      %dma_wait3A_795 = arith.constant 0 : i32
      %dma_wait3A_796 = tpu.memref_slice %arg3[%dma_wait3A_794, %dma_wait3A_795] : memref<100000x2048xf32, #tpu.memory_space<hbm>> -> memref<100000x2048xf32, #tpu.memory_space<hbm>>
      tpu.wait_indirect_dma semaphore(%arg12 : memref<!tpu.dma_semaphore, #tpu.memory_space<semaphore_mem>>) src(%dma_wait3A_796 : memref<100000x2048xf32, #tpu.memory_space<hbm>>) dst(%dma_wait3A_791 : memref<8x2048xf32, #tpu.memory_space<vmem>>)
      %mul3A_797 = arith.constant 8 : i32
      %mul3A_798 = arith.muli %add3A_760, %mul3A_797 : i32
      %add3A_799 = arith.addi %mul3A_2, %mul3A_798 : i32
      %dma_start3A_800 = arith.constant 5 : i32
      %dma_start3A_801 = arith.constant 0 : i32
      %dma_start3A_802 = arith.constant 0 : i32
      %dma_start3A_803 = tpu.memref_slice %arg6[%dma_start3A_800, %dma_start3A_801, %dma_start3A_802] : memref<6x8x2048xf32, #tpu.memory_space<vmem>> -> memref<1x8x2048xf32, #tpu.memory_space<vmem>>
      %dma_start3A_804 = tpu.memref_squeeze %dma_start3A_803 : memref<1x8x2048xf32, #tpu.memory_space<vmem>> -> memref<8x2048xf32, #tpu.memory_space<vmem>>
      %dma_start3A_805 = arith.constant 0 : i32
      %dma_start3A_806 = tpu.memref_slice %arg4[%add3A_799, %dma_start3A_805] : memref<16384x2048xf32, #tpu.memory_space<hbm>> -> memref<8x2048xf32, #tpu.memory_space<hbm>>
      %dma_start3A_807 = arith.constant 0 : i32
      %dma_start3A_808 = tpu.memref_slice %arg4[%add3A_799, %dma_start3A_807] : memref<16384x2048xf32, #tpu.memory_space<hbm>> -> memref<8x2048xf32, #tpu.memory_space<hbm>>
      %dma_start3A_809 = arith.constant 0 : i32
      %dma_start3A_810 = arith.constant 0 : i32
      %dma_start3A_811 = tpu.memref_slice %arg6[%dma_start3A_800, %dma_start3A_809, %dma_start3A_810] : memref<6x8x2048xf32, #tpu.memory_space<vmem>> -> memref<1x8x2048xf32, #tpu.memory_space<vmem>>
      %dma_start3A_812 = tpu.memref_squeeze %dma_start3A_811 : memref<1x8x2048xf32, #tpu.memory_space<vmem>> -> memref<8x2048xf32, #tpu.memory_space<vmem>>
      tpu.enqueue_dma source(%dma_start3A_812 : memref<8x2048xf32, #tpu.memory_space<vmem>>) target(%dma_start3A_808 : memref<8x2048xf32, #tpu.memory_space<hbm>>) target_semaphore(%arg18 : memref<!tpu.dma_semaphore, #tpu.memory_space<semaphore_mem>>)
    }
    %scan3A_307 = arith.constant 9 : i32
    %dma_wait3A_308 = arith.constant 4 : i32
    %dma_wait3A_309 = arith.constant 0 : i32
    %dma_wait3A_310 = arith.constant 0 : i32
    %dma_wait3A_311 = tpu.memref_slice %arg6[%dma_wait3A_308, %dma_wait3A_309, %dma_wait3A_310] : memref<6x8x2048xf32, #tpu.memory_space<vmem>> -> memref<1x8x2048xf32, #tpu.memory_space<vmem>>
    %dma_wait3A_312 = tpu.memref_squeeze %dma_wait3A_311 : memref<1x8x2048xf32, #tpu.memory_space<vmem>> -> memref<8x2048xf32, #tpu.memory_space<vmem>>
    %dma_wait3A_313 = arith.constant 0 : i32
    %dma_wait3A_314 = tpu.memref_slice %arg4[%mul3A_2, %dma_wait3A_313] : memref<16384x2048xf32, #tpu.memory_space<hbm>> -> memref<8x2048xf32, #tpu.memory_space<hbm>>
    %dma_wait3A_315 = arith.constant 0 : i32
    %dma_wait3A_316 = tpu.memref_slice %arg4[%mul3A_2, %dma_wait3A_315] : memref<16384x2048xf32, #tpu.memory_space<hbm>> -> memref<8x2048xf32, #tpu.memory_space<hbm>>
    %dma_wait3A_317 = arith.constant 0 : i32
    %dma_wait3A_318 = arith.constant 0 : i32
    %dma_wait3A_319 = tpu.memref_slice %arg6[%dma_wait3A_308, %dma_wait3A_317, %dma_wait3A_318] : memref<6x8x2048xf32, #tpu.memory_space<vmem>> -> memref<1x8x2048xf32, #tpu.memory_space<vmem>>
    %dma_wait3A_320 = tpu.memref_squeeze %dma_wait3A_319 : memref<1x8x2048xf32, #tpu.memory_space<vmem>> -> memref<8x2048xf32, #tpu.memory_space<vmem>>
    tpu.wait_dma2 semaphore(%arg17 : memref<!tpu.dma_semaphore, #tpu.memory_space<semaphore_mem>>) src(%dma_wait3A_320 : memref<8x2048xf32, #tpu.memory_space<vmem>>) dst(%dma_wait3A_316 : memref<8x2048xf32, #tpu.memory_space<hbm>>)
    %dma_wait3A_321 = arith.constant 0 : i32
    %dma_wait3A_322 = arith.constant 0 : i32
    %dma_wait3A_323 = arith.constant 0 : i32
    %dma_wait3A_324 = tpu.memref_slice %arg6[%dma_wait3A_321, %dma_wait3A_322, %dma_wait3A_323] : memref<6x8x2048xf32, #tpu.memory_space<vmem>> -> memref<1x8x2048xf32, #tpu.memory_space<vmem>>
    %dma_wait3A_325 = tpu.memref_squeeze %dma_wait3A_324 : memref<1x8x2048xf32, #tpu.memory_space<vmem>> -> memref<8x2048xf32, #tpu.memory_space<vmem>>
    %dma_wait3A_326 = arith.constant 0 : i32
    %dma_wait3A_327 = tpu.memref_slice %arg5[%dma_wait3A_326] : memref<512xi32, #tpu.memory_space<vmem>> -> memref<8xi32, #tpu.memory_space<vmem>>
    %dma_wait3A_328 = arith.constant 0 : i32
    %dma_wait3A_329 = arith.constant 0 : i32
    %dma_wait3A_330 = tpu.memref_slice %arg3[%dma_wait3A_328, %dma_wait3A_329] : memref<100000x2048xf32, #tpu.memory_space<hbm>> -> memref<100000x2048xf32, #tpu.memory_space<hbm>>
    tpu.wait_indirect_dma semaphore(%arg7 : memref<!tpu.dma_semaphore, #tpu.memory_space<semaphore_mem>>) src(%dma_wait3A_330 : memref<100000x2048xf32, #tpu.memory_space<hbm>>) dst(%dma_wait3A_325 : memref<8x2048xf32, #tpu.memory_space<vmem>>)
    %add3A_331 = arith.constant 480 : i32
    %add3A_332 = arith.addi %mul3A_2, %add3A_331 : i32
    %dma_start3A_333 = arith.constant 0 : i32
    %dma_start3A_334 = arith.constant 0 : i32
    %dma_start3A_335 = arith.constant 0 : i32
    %dma_start3A_336 = tpu.memref_slice %arg6[%dma_start3A_333, %dma_start3A_334, %dma_start3A_335] : memref<6x8x2048xf32, #tpu.memory_space<vmem>> -> memref<1x8x2048xf32, #tpu.memory_space<vmem>>
    %dma_start3A_337 = tpu.memref_squeeze %dma_start3A_336 : memref<1x8x2048xf32, #tpu.memory_space<vmem>> -> memref<8x2048xf32, #tpu.memory_space<vmem>>
    %dma_start3A_338 = arith.constant 0 : i32
    %dma_start3A_339 = tpu.memref_slice %arg4[%add3A_332, %dma_start3A_338] : memref<16384x2048xf32, #tpu.memory_space<hbm>> -> memref<8x2048xf32, #tpu.memory_space<hbm>>
    %dma_start3A_340 = arith.constant 0 : i32
    %dma_start3A_341 = tpu.memref_slice %arg4[%add3A_332, %dma_start3A_340] : memref<16384x2048xf32, #tpu.memory_space<hbm>> -> memref<8x2048xf32, #tpu.memory_space<hbm>>
    %dma_start3A_342 = arith.constant 0 : i32
    %dma_start3A_343 = arith.constant 0 : i32
    %dma_start3A_344 = tpu.memref_slice %arg6[%dma_start3A_333, %dma_start3A_342, %dma_start3A_343] : memref<6x8x2048xf32, #tpu.memory_space<vmem>> -> memref<1x8x2048xf32, #tpu.memory_space<vmem>>
    %dma_start3A_345 = tpu.memref_squeeze %dma_start3A_344 : memref<1x8x2048xf32, #tpu.memory_space<vmem>> -> memref<8x2048xf32, #tpu.memory_space<vmem>>
    tpu.enqueue_dma source(%dma_start3A_345 : memref<8x2048xf32, #tpu.memory_space<vmem>>) target(%dma_start3A_341 : memref<8x2048xf32, #tpu.memory_space<hbm>>) target_semaphore(%arg13 : memref<!tpu.dma_semaphore, #tpu.memory_space<semaphore_mem>>)
    %dma_wait3A_346 = arith.constant 5 : i32
    %dma_wait3A_347 = arith.constant 0 : i32
    %dma_wait3A_348 = arith.constant 0 : i32
    %dma_wait3A_349 = tpu.memref_slice %arg6[%dma_wait3A_346, %dma_wait3A_347, %dma_wait3A_348] : memref<6x8x2048xf32, #tpu.memory_space<vmem>> -> memref<1x8x2048xf32, #tpu.memory_space<vmem>>
    %dma_wait3A_350 = tpu.memref_squeeze %dma_wait3A_349 : memref<1x8x2048xf32, #tpu.memory_space<vmem>> -> memref<8x2048xf32, #tpu.memory_space<vmem>>
    %dma_wait3A_351 = arith.constant 0 : i32
    %dma_wait3A_352 = tpu.memref_slice %arg4[%mul3A_2, %dma_wait3A_351] : memref<16384x2048xf32, #tpu.memory_space<hbm>> -> memref<8x2048xf32, #tpu.memory_space<hbm>>
    %dma_wait3A_353 = arith.constant 0 : i32
    %dma_wait3A_354 = tpu.memref_slice %arg4[%mul3A_2, %dma_wait3A_353] : memref<16384x2048xf32, #tpu.memory_space<hbm>> -> memref<8x2048xf32, #tpu.memory_space<hbm>>
    %dma_wait3A_355 = arith.constant 0 : i32
    %dma_wait3A_356 = arith.constant 0 : i32
    %dma_wait3A_357 = tpu.memref_slice %arg6[%dma_wait3A_346, %dma_wait3A_355, %dma_wait3A_356] : memref<6x8x2048xf32, #tpu.memory_space<vmem>> -> memref<1x8x2048xf32, #tpu.memory_space<vmem>>
    %dma_wait3A_358 = tpu.memref_squeeze %dma_wait3A_357 : memref<1x8x2048xf32, #tpu.memory_space<vmem>> -> memref<8x2048xf32, #tpu.memory_space<vmem>>
    tpu.wait_dma2 semaphore(%arg18 : memref<!tpu.dma_semaphore, #tpu.memory_space<semaphore_mem>>) src(%dma_wait3A_358 : memref<8x2048xf32, #tpu.memory_space<vmem>>) dst(%dma_wait3A_354 : memref<8x2048xf32, #tpu.memory_space<hbm>>)
    %dma_wait3A_359 = arith.constant 1 : i32
    %dma_wait3A_360 = arith.constant 0 : i32
    %dma_wait3A_361 = arith.constant 0 : i32
    %dma_wait3A_362 = tpu.memref_slice %arg6[%dma_wait3A_359, %dma_wait3A_360, %dma_wait3A_361] : memref<6x8x2048xf32, #tpu.memory_space<vmem>> -> memref<1x8x2048xf32, #tpu.memory_space<vmem>>
    %dma_wait3A_363 = tpu.memref_squeeze %dma_wait3A_362 : memref<1x8x2048xf32, #tpu.memory_space<vmem>> -> memref<8x2048xf32, #tpu.memory_space<vmem>>
    %dma_wait3A_364 = arith.constant 0 : i32
    %dma_wait3A_365 = tpu.memref_slice %arg5[%dma_wait3A_364] : memref<512xi32, #tpu.memory_space<vmem>> -> memref<8xi32, #tpu.memory_space<vmem>>
    %dma_wait3A_366 = arith.constant 0 : i32
    %dma_wait3A_367 = arith.constant 0 : i32
    %dma_wait3A_368 = tpu.memref_slice %arg3[%dma_wait3A_366, %dma_wait3A_367] : memref<100000x2048xf32, #tpu.memory_space<hbm>> -> memref<100000x2048xf32, #tpu.memory_space<hbm>>
    tpu.wait_indirect_dma semaphore(%arg8 : memref<!tpu.dma_semaphore, #tpu.memory_space<semaphore_mem>>) src(%dma_wait3A_368 : memref<100000x2048xf32, #tpu.memory_space<hbm>>) dst(%dma_wait3A_363 : memref<8x2048xf32, #tpu.memory_space<vmem>>)
    %add3A_369 = arith.constant 488 : i32
    %add3A_370 = arith.addi %mul3A_2, %add3A_369 : i32
    %dma_start3A_371 = arith.constant 1 : i32
    %dma_start3A_372 = arith.constant 0 : i32
    %dma_start3A_373 = arith.constant 0 : i32
    %dma_start3A_374 = tpu.memref_slice %arg6[%dma_start3A_371, %dma_start3A_372, %dma_start3A_373] : memref<6x8x2048xf32, #tpu.memory_space<vmem>> -> memref<1x8x2048xf32, #tpu.memory_space<vmem>>
    %dma_start3A_375 = tpu.memref_squeeze %dma_start3A_374 : memref<1x8x2048xf32, #tpu.memory_space<vmem>> -> memref<8x2048xf32, #tpu.memory_space<vmem>>
    %dma_start3A_376 = arith.constant 0 : i32
    %dma_start3A_377 = tpu.memref_slice %arg4[%add3A_370, %dma_start3A_376] : memref<16384x2048xf32, #tpu.memory_space<hbm>> -> memref<8x2048xf32, #tpu.memory_space<hbm>>
    %dma_start3A_378 = arith.constant 0 : i32
    %dma_start3A_379 = tpu.memref_slice %arg4[%add3A_370, %dma_start3A_378] : memref<16384x2048xf32, #tpu.memory_space<hbm>> -> memref<8x2048xf32, #tpu.memory_space<hbm>>
    %dma_start3A_380 = arith.constant 0 : i32
    %dma_start3A_381 = arith.constant 0 : i32
    %dma_start3A_382 = tpu.memref_slice %arg6[%dma_start3A_371, %dma_start3A_380, %dma_start3A_381] : memref<6x8x2048xf32, #tpu.memory_space<vmem>> -> memref<1x8x2048xf32, #tpu.memory_space<vmem>>
    %dma_start3A_383 = tpu.memref_squeeze %dma_start3A_382 : memref<1x8x2048xf32, #tpu.memory_space<vmem>> -> memref<8x2048xf32, #tpu.memory_space<vmem>>
    tpu.enqueue_dma source(%dma_start3A_383 : memref<8x2048xf32, #tpu.memory_space<vmem>>) target(%dma_start3A_379 : memref<8x2048xf32, #tpu.memory_space<hbm>>) target_semaphore(%arg14 : memref<!tpu.dma_semaphore, #tpu.memory_space<semaphore_mem>>)
    %dma_wait3A_384 = arith.constant 0 : i32
    %dma_wait3A_385 = arith.constant 0 : i32
    %dma_wait3A_386 = arith.constant 0 : i32
    %dma_wait3A_387 = tpu.memref_slice %arg6[%dma_wait3A_384, %dma_wait3A_385, %dma_wait3A_386] : memref<6x8x2048xf32, #tpu.memory_space<vmem>> -> memref<1x8x2048xf32, #tpu.memory_space<vmem>>
    %dma_wait3A_388 = tpu.memref_squeeze %dma_wait3A_387 : memref<1x8x2048xf32, #tpu.memory_space<vmem>> -> memref<8x2048xf32, #tpu.memory_space<vmem>>
    %dma_wait3A_389 = arith.constant 0 : i32
    %dma_wait3A_390 = tpu.memref_slice %arg4[%mul3A_2, %dma_wait3A_389] : memref<16384x2048xf32, #tpu.memory_space<hbm>> -> memref<8x2048xf32, #tpu.memory_space<hbm>>
    %dma_wait3A_391 = arith.constant 0 : i32
    %dma_wait3A_392 = tpu.memref_slice %arg4[%mul3A_2, %dma_wait3A_391] : memref<16384x2048xf32, #tpu.memory_space<hbm>> -> memref<8x2048xf32, #tpu.memory_space<hbm>>
    %dma_wait3A_393 = arith.constant 0 : i32
    %dma_wait3A_394 = arith.constant 0 : i32
    %dma_wait3A_395 = tpu.memref_slice %arg6[%dma_wait3A_384, %dma_wait3A_393, %dma_wait3A_394] : memref<6x8x2048xf32, #tpu.memory_space<vmem>> -> memref<1x8x2048xf32, #tpu.memory_space<vmem>>
    %dma_wait3A_396 = tpu.memref_squeeze %dma_wait3A_395 : memref<1x8x2048xf32, #tpu.memory_space<vmem>> -> memref<8x2048xf32, #tpu.memory_space<vmem>>
    tpu.wait_dma2 semaphore(%arg13 : memref<!tpu.dma_semaphore, #tpu.memory_space<semaphore_mem>>) src(%dma_wait3A_396 : memref<8x2048xf32, #tpu.memory_space<vmem>>) dst(%dma_wait3A_392 : memref<8x2048xf32, #tpu.memory_space<hbm>>)
    %dma_wait3A_397 = arith.constant 2 : i32
    %dma_wait3A_398 = arith.constant 0 : i32
    %dma_wait3A_399 = arith.constant 0 : i32
    %dma_wait3A_400 = tpu.memref_slice %arg6[%dma_wait3A_397, %dma_wait3A_398, %dma_wait3A_399] : memref<6x8x2048xf32, #tpu.memory_space<vmem>> -> memref<1x8x2048xf32, #tpu.memory_space<vmem>>
    %dma_wait3A_401 = tpu.memref_squeeze %dma_wait3A_400 : memref<1x8x2048xf32, #tpu.memory_space<vmem>> -> memref<8x2048xf32, #tpu.memory_space<vmem>>
    %dma_wait3A_402 = arith.constant 0 : i32
    %dma_wait3A_403 = tpu.memref_slice %arg5[%dma_wait3A_402] : memref<512xi32, #tpu.memory_space<vmem>> -> memref<8xi32, #tpu.memory_space<vmem>>
    %dma_wait3A_404 = arith.constant 0 : i32
    %dma_wait3A_405 = arith.constant 0 : i32
    %dma_wait3A_406 = tpu.memref_slice %arg3[%dma_wait3A_404, %dma_wait3A_405] : memref<100000x2048xf32, #tpu.memory_space<hbm>> -> memref<100000x2048xf32, #tpu.memory_space<hbm>>
    tpu.wait_indirect_dma semaphore(%arg9 : memref<!tpu.dma_semaphore, #tpu.memory_space<semaphore_mem>>) src(%dma_wait3A_406 : memref<100000x2048xf32, #tpu.memory_space<hbm>>) dst(%dma_wait3A_401 : memref<8x2048xf32, #tpu.memory_space<vmem>>)
    %add3A_407 = arith.constant 496 : i32
    %add3A_408 = arith.addi %mul3A_2, %add3A_407 : i32
    %dma_start3A_409 = arith.constant 2 : i32
    %dma_start3A_410 = arith.constant 0 : i32
    %dma_start3A_411 = arith.constant 0 : i32
    %dma_start3A_412 = tpu.memref_slice %arg6[%dma_start3A_409, %dma_start3A_410, %dma_start3A_411] : memref<6x8x2048xf32, #tpu.memory_space<vmem>> -> memref<1x8x2048xf32, #tpu.memory_space<vmem>>
    %dma_start3A_413 = tpu.memref_squeeze %dma_start3A_412 : memref<1x8x2048xf32, #tpu.memory_space<vmem>> -> memref<8x2048xf32, #tpu.memory_space<vmem>>
    %dma_start3A_414 = arith.constant 0 : i32
    %dma_start3A_415 = tpu.memref_slice %arg4[%add3A_408, %dma_start3A_414] : memref<16384x2048xf32, #tpu.memory_space<hbm>> -> memref<8x2048xf32, #tpu.memory_space<hbm>>
    %dma_start3A_416 = arith.constant 0 : i32
    %dma_start3A_417 = tpu.memref_slice %arg4[%add3A_408, %dma_start3A_416] : memref<16384x2048xf32, #tpu.memory_space<hbm>> -> memref<8x2048xf32, #tpu.memory_space<hbm>>
    %dma_start3A_418 = arith.constant 0 : i32
    %dma_start3A_419 = arith.constant 0 : i32
    %dma_start3A_420 = tpu.memref_slice %arg6[%dma_start3A_409, %dma_start3A_418, %dma_start3A_419] : memref<6x8x2048xf32, #tpu.memory_space<vmem>> -> memref<1x8x2048xf32, #tpu.memory_space<vmem>>
    %dma_start3A_421 = tpu.memref_squeeze %dma_start3A_420 : memref<1x8x2048xf32, #tpu.memory_space<vmem>> -> memref<8x2048xf32, #tpu.memory_space<vmem>>
    tpu.enqueue_dma source(%dma_start3A_421 : memref<8x2048xf32, #tpu.memory_space<vmem>>) target(%dma_start3A_417 : memref<8x2048xf32, #tpu.memory_space<hbm>>) target_semaphore(%arg15 : memref<!tpu.dma_semaphore, #tpu.memory_space<semaphore_mem>>)
    %dma_wait3A_422 = arith.constant 1 : i32
    %dma_wait3A_423 = arith.constant 0 : i32
    %dma_wait3A_424 = arith.constant 0 : i32
    %dma_wait3A_425 = tpu.memref_slice %arg6[%dma_wait3A_422, %dma_wait3A_423, %dma_wait3A_424] : memref<6x8x2048xf32, #tpu.memory_space<vmem>> -> memref<1x8x2048xf32, #tpu.memory_space<vmem>>
    %dma_wait3A_426 = tpu.memref_squeeze %dma_wait3A_425 : memref<1x8x2048xf32, #tpu.memory_space<vmem>> -> memref<8x2048xf32, #tpu.memory_space<vmem>>
    %dma_wait3A_427 = arith.constant 0 : i32
    %dma_wait3A_428 = tpu.memref_slice %arg4[%mul3A_2, %dma_wait3A_427] : memref<16384x2048xf32, #tpu.memory_space<hbm>> -> memref<8x2048xf32, #tpu.memory_space<hbm>>
    %dma_wait3A_429 = arith.constant 0 : i32
    %dma_wait3A_430 = tpu.memref_slice %arg4[%mul3A_2, %dma_wait3A_429] : memref<16384x2048xf32, #tpu.memory_space<hbm>> -> memref<8x2048xf32, #tpu.memory_space<hbm>>
    %dma_wait3A_431 = arith.constant 0 : i32
    %dma_wait3A_432 = arith.constant 0 : i32
    %dma_wait3A_433 = tpu.memref_slice %arg6[%dma_wait3A_422, %dma_wait3A_431, %dma_wait3A_432] : memref<6x8x2048xf32, #tpu.memory_space<vmem>> -> memref<1x8x2048xf32, #tpu.memory_space<vmem>>
    %dma_wait3A_434 = tpu.memref_squeeze %dma_wait3A_433 : memref<1x8x2048xf32, #tpu.memory_space<vmem>> -> memref<8x2048xf32, #tpu.memory_space<vmem>>
    tpu.wait_dma2 semaphore(%arg14 : memref<!tpu.dma_semaphore, #tpu.memory_space<semaphore_mem>>) src(%dma_wait3A_434 : memref<8x2048xf32, #tpu.memory_space<vmem>>) dst(%dma_wait3A_430 : memref<8x2048xf32, #tpu.memory_space<hbm>>)
    %dma_wait3A_435 = arith.constant 3 : i32
    %dma_wait3A_436 = arith.constant 0 : i32
    %dma_wait3A_437 = arith.constant 0 : i32
    %dma_wait3A_438 = tpu.memref_slice %arg6[%dma_wait3A_435, %dma_wait3A_436, %dma_wait3A_437] : memref<6x8x2048xf32, #tpu.memory_space<vmem>> -> memref<1x8x2048xf32, #tpu.memory_space<vmem>>
    %dma_wait3A_439 = tpu.memref_squeeze %dma_wait3A_438 : memref<1x8x2048xf32, #tpu.memory_space<vmem>> -> memref<8x2048xf32, #tpu.memory_space<vmem>>
    %dma_wait3A_440 = arith.constant 0 : i32
    %dma_wait3A_441 = tpu.memref_slice %arg5[%dma_wait3A_440] : memref<512xi32, #tpu.memory_space<vmem>> -> memref<8xi32, #tpu.memory_space<vmem>>
    %dma_wait3A_442 = arith.constant 0 : i32
    %dma_wait3A_443 = arith.constant 0 : i32
    %dma_wait3A_444 = tpu.memref_slice %arg3[%dma_wait3A_442, %dma_wait3A_443] : memref<100000x2048xf32, #tpu.memory_space<hbm>> -> memref<100000x2048xf32, #tpu.memory_space<hbm>>
    tpu.wait_indirect_dma semaphore(%arg10 : memref<!tpu.dma_semaphore, #tpu.memory_space<semaphore_mem>>) src(%dma_wait3A_444 : memref<100000x2048xf32, #tpu.memory_space<hbm>>) dst(%dma_wait3A_439 : memref<8x2048xf32, #tpu.memory_space<vmem>>)
    %add3A_445 = arith.constant 504 : i32
    %add3A_446 = arith.addi %mul3A_2, %add3A_445 : i32
    %dma_start3A_447 = arith.constant 3 : i32
    %dma_start3A_448 = arith.constant 0 : i32
    %dma_start3A_449 = arith.constant 0 : i32
    %dma_start3A_450 = tpu.memref_slice %arg6[%dma_start3A_447, %dma_start3A_448, %dma_start3A_449] : memref<6x8x2048xf32, #tpu.memory_space<vmem>> -> memref<1x8x2048xf32, #tpu.memory_space<vmem>>
    %dma_start3A_451 = tpu.memref_squeeze %dma_start3A_450 : memref<1x8x2048xf32, #tpu.memory_space<vmem>> -> memref<8x2048xf32, #tpu.memory_space<vmem>>
    %dma_start3A_452 = arith.constant 0 : i32
    %dma_start3A_453 = tpu.memref_slice %arg4[%add3A_446, %dma_start3A_452] : memref<16384x2048xf32, #tpu.memory_space<hbm>> -> memref<8x2048xf32, #tpu.memory_space<hbm>>
    %dma_start3A_454 = arith.constant 0 : i32
    %dma_start3A_455 = tpu.memref_slice %arg4[%add3A_446, %dma_start3A_454] : memref<16384x2048xf32, #tpu.memory_space<hbm>> -> memref<8x2048xf32, #tpu.memory_space<hbm>>
    %dma_start3A_456 = arith.constant 0 : i32
    %dma_start3A_457 = arith.constant 0 : i32
    %dma_start3A_458 = tpu.memref_slice %arg6[%dma_start3A_447, %dma_start3A_456, %dma_start3A_457] : memref<6x8x2048xf32, #tpu.memory_space<vmem>> -> memref<1x8x2048xf32, #tpu.memory_space<vmem>>
    %dma_start3A_459 = tpu.memref_squeeze %dma_start3A_458 : memref<1x8x2048xf32, #tpu.memory_space<vmem>> -> memref<8x2048xf32, #tpu.memory_space<vmem>>
    tpu.enqueue_dma source(%dma_start3A_459 : memref<8x2048xf32, #tpu.memory_space<vmem>>) target(%dma_start3A_455 : memref<8x2048xf32, #tpu.memory_space<hbm>>) target_semaphore(%arg16 : memref<!tpu.dma_semaphore, #tpu.memory_space<semaphore_mem>>)
    %dma_wait3A_460 = arith.constant 2 : i32
    %dma_wait3A_461 = arith.constant 0 : i32
    %dma_wait3A_462 = arith.constant 0 : i32
    %dma_wait3A_463 = tpu.memref_slice %arg6[%dma_wait3A_460, %dma_wait3A_461, %dma_wait3A_462] : memref<6x8x2048xf32, #tpu.memory_space<vmem>> -> memref<1x8x2048xf32, #tpu.memory_space<vmem>>
    %dma_wait3A_464 = tpu.memref_squeeze %dma_wait3A_463 : memref<1x8x2048xf32, #tpu.memory_space<vmem>> -> memref<8x2048xf32, #tpu.memory_space<vmem>>
    %dma_wait3A_465 = arith.constant 0 : i32
    %dma_wait3A_466 = tpu.memref_slice %arg4[%mul3A_2, %dma_wait3A_465] : memref<16384x2048xf32, #tpu.memory_space<hbm>> -> memref<8x2048xf32, #tpu.memory_space<hbm>>
    %dma_wait3A_467 = arith.constant 0 : i32
    %dma_wait3A_468 = tpu.memref_slice %arg4[%mul3A_2, %dma_wait3A_467] : memref<16384x2048xf32, #tpu.memory_space<hbm>> -> memref<8x2048xf32, #tpu.memory_space<hbm>>
    %dma_wait3A_469 = arith.constant 0 : i32
    %dma_wait3A_470 = arith.constant 0 : i32
    %dma_wait3A_471 = tpu.memref_slice %arg6[%dma_wait3A_460, %dma_wait3A_469, %dma_wait3A_470] : memref<6x8x2048xf32, #tpu.memory_space<vmem>> -> memref<1x8x2048xf32, #tpu.memory_space<vmem>>
    %dma_wait3A_472 = tpu.memref_squeeze %dma_wait3A_471 : memref<1x8x2048xf32, #tpu.memory_space<vmem>> -> memref<8x2048xf32, #tpu.memory_space<vmem>>
    tpu.wait_dma2 semaphore(%arg15 : memref<!tpu.dma_semaphore, #tpu.memory_space<semaphore_mem>>) src(%dma_wait3A_472 : memref<8x2048xf32, #tpu.memory_space<vmem>>) dst(%dma_wait3A_468 : memref<8x2048xf32, #tpu.memory_space<hbm>>)
    %dma_wait3A_473 = arith.constant 3 : i32
    %dma_wait3A_474 = arith.constant 0 : i32
    %dma_wait3A_475 = arith.constant 0 : i32
    %dma_wait3A_476 = tpu.memref_slice %arg6[%dma_wait3A_473, %dma_wait3A_474, %dma_wait3A_475] : memref<6x8x2048xf32, #tpu.memory_space<vmem>> -> memref<1x8x2048xf32, #tpu.memory_space<vmem>>
    %dma_wait3A_477 = tpu.memref_squeeze %dma_wait3A_476 : memref<1x8x2048xf32, #tpu.memory_space<vmem>> -> memref<8x2048xf32, #tpu.memory_space<vmem>>
    %dma_wait3A_478 = arith.constant 0 : i32
    %dma_wait3A_479 = tpu.memref_slice %arg4[%mul3A_2, %dma_wait3A_478] : memref<16384x2048xf32, #tpu.memory_space<hbm>> -> memref<8x2048xf32, #tpu.memory_space<hbm>>
    %dma_wait3A_480 = arith.constant 0 : i32
    %dma_wait3A_481 = tpu.memref_slice %arg4[%mul3A_2, %dma_wait3A_480] : memref<16384x2048xf32, #tpu.memory_space<hbm>> -> memref<8x2048xf32, #tpu.memory_space<hbm>>
    %dma_wait3A_482 = arith.constant 0 : i32
    %dma_wait3A_483 = arith.constant 0 : i32
    %dma_wait3A_484 = tpu.memref_slice %arg6[%dma_wait3A_473, %dma_wait3A_482, %dma_wait3A_483] : memref<6x8x2048xf32, #tpu.memory_space<vmem>> -> memref<1x8x2048xf32, #tpu.memory_space<vmem>>
    %dma_wait3A_485 = tpu.memref_squeeze %dma_wait3A_484 : memref<1x8x2048xf32, #tpu.memory_space<vmem>> -> memref<8x2048xf32, #tpu.memory_space<vmem>>
    tpu.wait_dma2 semaphore(%arg16 : memref<!tpu.dma_semaphore, #tpu.memory_space<semaphore_mem>>) src(%dma_wait3A_485 : memref<8x2048xf32, #tpu.memory_space<vmem>>) dst(%dma_wait3A_481 : memref<8x2048xf32, #tpu.memory_space<hbm>>)
    return
  }
}

</mosaic_0001>

<sc_bundles>
// kernel: _lookup.3.cloned.1.call-start
scs
__scs_entry_jumppad:
0x0: {  	(pc) =	sbr.rel $0x88, $3  }
0x1: {  	(tag) =	ssettag $0x0;
	lr =	simm.s32 $0x1  }
0x2: {  	[smem:$0x3F9F] =	sst lr;
	_ =	strace $0xD0000000  }
0x3: {  	_ = 	snop  }
0x4: {  	_ = 	snop  }
0x5: {  	_ = 	snop  }
0x6: {  	_ = 	snop  }
0x7: {  	_ = 	snop  }
__scs_overlays_trampoline_lowered:
0x8: {  	[smem:$0x3FAE] =	sst s0  }
0x9: {  	[smem:$0x3FAF] =	sst s1  }
0xa: {  	[smem:$0x3FB0] =	sst s2  }
0xb: {  	[smem:$0x3FB1] =	sst s3  }
0xc: {  	[smem:$0x3FB2] =	sst s4  }
0xd: {  	[smem:$0x3FB3] =	sst s5  }
0xe: {  	[smem:$0x3FB4] =	sst s6  }
0xf: {  	[smem:$0x3FB5] =	sst s7  }
0x10: {  	[smem:$0x3FB6] =	sst s8  }
0x11: {  	[smem:$0x3FB7] =	sst s9;
	s0 =	simm.s32 @!p0 $0x0  }
0x12: {  	s1 =	sld [smem:$0x3F9D];
	s0 =	simm.s32 @p0 $0x1  }
0x13: {  	[smem:$0x3FB8] =	sst s0;
	s0 =	simm.s32 @!p1 $0x0  }
0x14: {  	s2 =	sld [smem:$0x3F9C];
	s0 =	simm.s32 @p1 $0x1  }
0x15: {  	[smem:$0x3FB9] =	sst s0;
	s0 =	simm.s32 @!p2 $0x0  }
0x16: {  	s3 =	sld [smem:$0x3FDB];
	s0 =	simm.s32 @p2 $0x1  }
0x17: {  	s4 =	simm.s32 $0x1BF5;
	[smem:$0x3FBB] =	sst s0  }
0x18: {  	s0 =	sld [smem:$0x3F9E];
	_ =	swait.ge [sflag:s4], $0x0  }
0x19: {  	s7 =	sld [smem:$0x3F9F]  }
0x1a: {  	s8 =	sadd.s32 $0xFFFFE003, lr  }
0x1b: {  	s9 =	sadd.s32 $0xFFFFFEF7, lr;
	s5 =	simm.s32 $0xFFFFFFFF;
	p2 =	slt.u32 s8, $0xFFFFF086  }
0x1c: {  	p1 =	slt.u32 s9, $0xF7A;
	s5 =	simm.s32 @!p2 $0x0  }
0x1d: {  	s5 =	simm.s32 @p1 $0x1;
	p0 =	seq.s32 s7, s2  }
0x1e: {  	s7 =	smul.u32 @!p0 $0xF7A, s2;
	p2 =	seq.s32 @!p0 s5, $0x0  }
0x1f: {  	s9 =	smul.u32 $0xF7A, s1;
	s8 =	simm.s32 @!p0 $0x1BF5;
	p2 =	por !p2, p0  }
0x20: {  	[sflag:s8] =	ssyncset.s32 @!p0 $0xFFFFF086;
	s6 =	sadd.s32 @!p0 s3, s7;
	s7 =	simm.s32 @!p0 $0x108  }
0x21: {  	s3 =	sadd.s32 s3, s9;
	s6 =	sadd.s32 @!p0 $0x88, s6;
	s7 =	simm.s32 @p2 $0x1082  }
0x22: {  	[simem:s7], [sflag:s8] =	dma.local @!p0 [hbm:s6], $0xF7A  }
0x23: {  	s9 =	sor.u32 $0xD0000000, s2;
	s6 =	simm.s32 $0x108;
	_ =	swait.ge @!p0 [sflag:s8], $0x0  }
0x24: {  	s3 =	sadd.s32 $0x88, s3;
	s6 =	simm.s32 @!p1 $0x1082;
	[sflag:s4] =	ssyncset.s32 $0xFFFFF086  }
0x25: {  	[simem:s6], [sflag:s4] =	dma.local [hbm:s3], $0xF7A  }
0x26: {  	[smem:$0x3F9F] =	sst s1;
	(tag) =	ssettag s2;
	_ =	strace s9  }
0x27: {  	s1 =	sld [smem:$0x3FAF]  }
0x28: {  	s2 =	sld [smem:$0x3FB0]  }
0x29: {  	s4 =	sld [smem:$0x3FB2]  }
0x2a: {  	p0 =	seq.s32 s5, $0x0;
	s5 =	sld [smem:$0x3FB3]  }
0x2b: {  	s6 =	sld [smem:$0x3FB4]  }
0x2c: {  	s7 =	sld [smem:$0x3FB5]  }
0x2d: {  	s3 =	simm.s32 $0x108;
	s8 =	sld [smem:$0x3FB6]  }
0x2e: {  	s3 =	simm.s32 @!p0 $0x1082;
	s9 =	sld [smem:$0x3FB7]  }
0x2f: {  	lr =	sadd.s32 s0, s3;
	s0 =	sld [smem:$0x3FAE]  }
0x30: {  	s3 =	sld [smem:$0x3FB1]  }
0x31: {  	[smem:$0x3FBA] =	sst s10  }
0x32: {  	s10 =	sld [smem:$0x3FB8];
	_ =	sdelay $0x3  }
0x33: {  	p0 =	seq.s32 s10, $0x1;
	s10 =	sld [smem:$0x3FBA];
	_ =	sdelay $0x3  }
0x34: {  	[smem:$0x3FBA] =	sst s10  }
0x35: {  	s10 =	sld [smem:$0x3FB9];
	_ =	sdelay $0x3  }
0x36: {  	p1 =	seq.s32 s10, $0x1;
	s10 =	sld [smem:$0x3FBA];
	_ =	sdelay $0x3  }
0x37: {  	[smem:$0x3FBA] =	sst s10  }
0x38: {  	s10 =	sld [smem:$0x3FBB]  }
0x39: {  	_ = 	snop;
	(pc) =	sbr.ind lr, $3  }
0x3a: {  	_ = 	snop  }
0x3b: {  	_ = 	snop  }
0x3c: {  	p2 =	seq.s32 s10, $0x1;
	s10 =	sld [smem:$0x3FBA]  }
0x3d: {  	_ =	shalt  }
0x3e: {  	_ =	shalt  }
0x3f: {  	_ =	shalt  }
0x40: {  	_ =	shalt  }
0x41: {  	_ =	shalt  }
0x42: {  	_ =	shalt  }
0x43: {  	_ =	shalt  }
0x44: {  	_ =	shalt  }
0x45: {  	_ =	shalt  }
0x46: {  	_ =	shalt  }
0x47: {  	_ =	shalt  }
0x48: {  	_ =	shalt  }
0x49: {  	_ =	shalt  }
0x4a: {  	_ =	shalt  }
0x4b: {  	_ =	shalt  }
0x4c: {  	_ =	shalt  }
0x4d: {  	_ =	shalt  }
0x4e: {  	_ =	shalt  }
0x4f: {  	_ =	shalt  }
0x50: {  	_ =	shalt  }
0x51: {  	_ =	shalt  }
0x52: {  	_ =	shalt  }
0x53: {  	_ =	shalt  }
0x54: {  	_ =	shalt  }
0x55: {  	_ =	shalt  }
0x56: {  	_ =	shalt  }
0x57: {  	_ =	shalt  }
0x58: {  	_ =	shalt  }
0x59: {  	_ =	shalt  }
0x5a: {  	_ =	shalt  }
0x5b: {  	_ =	shalt  }
0x5c: {  	_ =	shalt  }
0x5d: {  	_ =	shalt  }
0x5e: {  	_ =	shalt  }
0x5f: {  	_ =	shalt  }
0x60: {  	_ =	shalt  }
0x61: {  	_ =	shalt  }
0x62: {  	_ =	shalt  }
0x63: {  	_ =	shalt  }
0x64: {  	_ =	shalt  }
0x65: {  	_ =	shalt  }
0x66: {  	_ =	shalt  }
0x67: {  	_ =	shalt  }
0x68: {  	_ =	shalt  }
0x69: {  	_ =	shalt  }
0x6a: {  	_ =	shalt  }
0x6b: {  	_ =	shalt  }
0x6c: {  	_ =	shalt  }
0x6d: {  	_ =	shalt  }
0x6e: {  	_ =	shalt  }
0x6f: {  	_ =	shalt  }
0x70: {  	_ =	shalt  }
0x71: {  	_ =	shalt  }
0x72: {  	_ =	shalt  }
0x73: {  	_ =	shalt  }
0x74: {  	_ =	shalt  }
0x75: {  	_ =	shalt  }
0x76: {  	_ =	shalt  }
0x77: {  	_ =	shalt  }
0x78: {  	_ =	shalt  }
0x79: {  	_ =	shalt  }
0x7a: {  	_ =	shalt  }
0x7b: {  	_ =	shalt  }
0x7c: {  	_ =	shalt  }
0x7d: {  	_ =	shalt  }
0x7e: {  	_ =	shalt  }
0x7f: {  	_ =	shalt  }
0x80: {  	_ =	shalt  }
0x81: {  	_ =	shalt  }
0x82: {  	_ =	shalt  }
0x83: {  	_ =	shalt  }
0x84: {  	_ =	shalt  }
0x85: {  	_ =	shalt  }
0x86: {  	_ =	shalt  }
0x87: {  	_ =	shalt  }
.Lfunc_end0:
.L_simem_size_0:
called_computation_lowered:
.L_overlay_start_0:
0x88: {  	s2 =	sld [smem:$0x3FD9]  }
0x89: {  	s3 =	sld [smem:$0x3FFE];
	_ =	sdelay $0x1  }
0x8a: {  	s1 =	srdreg.scid  }
0x8b: {  	s0 =	sand.u32 $0x1, s1  }
0x8c: {  	s18 =	sshll.u32 s0, $0xA;
	s2 =	sadd.s32 s3, s2  }
0x8d: {  	s2 =	sadd.s32 s2, s18  }
0x8e: {  	[smem:$0x3FC6] =	sst s2  }
0x8f: {  	_ = 	snop  }
0x90: {  	s2 =	sld [smem:$0x3FC9]  }
0x91: {  	s19 =	sld [smem:$0x3FC8]  }
0x92: {  	s4 =	sld [smem:$0x3FD0];
	(tm) =	ssettm $0x1  }
0x93: {  	s5 =	sld [smem:$0x3FFB];
	_ =	sdelay $0x3  }
0x94: {  	_ =	strace s5  }
0x95: {  	s5 =	sld [smem:$0x3FFC];
	_ =	sdelay $0x3  }
0x96: {  	_ =	strace s5  }
0x97: {  	s5 =	sld [smem:$0x3FFD];
	_ =	sdelay $0x3  }
0x98: {  	_ =	strace s5  }
0x99: {  	_ =	strace $0x8FFFFFFF  }
0x9a: {  	s20 =	sld [smem:$0x3FDB];
	_ =	sdelay $0x1  }
0x9b: {  	s6 =	simm.s32 $_scs_section_size  }
0x9c: {  	s7 =	simm.s32 $_size__tile_overlayer_lowered;
	s8 =	simm.s32 $_tile_overlayer_lowered  }
0x9d: {  	s23 =	simm.s32 $0x1BFF;
	s22 =	sshll.u32 s8, $0x1;
	s5 =	sadd.s32 s6, s20  }
0x9e: {  	s9 =	simm.s32 $0x0;
	s21 =	sshll.u32 s7, $0x1;
	s7 =	sadd.s32 s22, s5  }
0x9f: {  	[timem:s9], [sflag:s23] =	dma.local [hbm:s7], s21  }
0xa0: {  	_ =	swait.ge [sflag:s23], s21  }
0xa1: {  	s6 =	ssub.s32 $0x0, s21;
	[sflag:s23] =	ssyncset.done $0x0  }
0xa2: {  	[sflag:s23] =	ssyncadd.s32 s6;
	_ =	sdelay $0x1  }
0xa3: {  	s24 =	simm.s32 $0x1B8B  }
0xa4: {  	_ =	swait.ge [sflag:s24], $0x1  }
0xa5: {  	[sflag:s24] =	ssyncset.done $0x0  }
0xa6: {  	s25 =	simm.s32 $0x1B8E;
	[sflag:s24] =	ssyncadd.s32 $0xFFFFFFFF  }
0xa7: {  	s26 =	simm.s32 $execute0_lowered;
	[smem:$0x3FD2] =	sst s25  }
0xa8: {  	s6 =	sshll.u32 s26, $0x1;
	_ =	strace $0x80000046;
	[dreg:$0x1] =	wrdreg $0xFFFFFFFF  }
0xa9: {  	s28 =	simm.s32 $_size_execute0_lowered;
	s5 =	sadd.s32 s5, s6;
	[dreg:$0x0] =	wrdreg $0x0  }
0xaa: {  	s6 =	sshll.u32 s28, $0x1;
	[dreg:$0x2] =	wrdreg s5  }
0xab: {  	[dreg:$0x3] =	wrdreg s6  }
0xac: {  	[dreg:$0x4] =	wrdreg $0xC0  }
0xad: {  	_ =	task [dreg:s9], $0x5FFFF  }
0xae: {  	[dreg:$0x1] =	wrdreg $0xFFFFFFFF  }
0xaf: {  	[dreg:$0x0] =	wrdreg $0x60  }
0xb0: {  	[dreg:$0x2] =	wrdreg s2  }
0xb1: {  	[dreg:$0x3] =	wrdreg s19  }
0xb2: {  	[dreg:$0x4] =	wrdreg s4  }
0xb3: {  	[dreg:$0x5] =	wrdreg $0x9  }
0xb4: {  	_ =	task.clear_ibuf [dreg:s9], $0x6FFFF;
	_ =	strace $0x90000046  }
0xb5: {  	s29 =	simm.s32 $0x9;
	_ =	strace $0x80000048  }
0xb6: {  	_ =	swait.ge [sflag:s29], $0x1  }
0xb7: {  	[sflag:s29] =	ssyncadd.s32 $0xFFFFFFFF  }
0xb8: {  	_ =	strace $0x90000048  }
0xb9: {  	_ =	sfence  }
0xba: {  	s30 =	sld [smem:$0x0];
	_ =	sdelay $0x2  }
0xbb: {  	s31 =	sshll.u32 s1, $0xD;
	s1 =	sshrl.u32 s1, $0x2  }
0xbc: {  	s3 =	sand.u32 $0x4000, s31;
	s1 =	sadd.s32 s1, s30  }
0xbd: {  	s0 =	sor.u32 s3, s0;
	s1 =	sshll.u32 s1, $0x11  }
0xbe: {  	s0 =	sor.u32 s1, s0  }
0xbf: {  	s0 =	sadd.s32 $0x8F2B, s0  }
0xc0: {  	[sflag:s0] =	ssyncadd.remote.s32 $0x1  }
0xc1: {  	_ =	sfence.sel $0xFFFF  }
0xc2: {  	[dreg:$0x0] =	wrdreg $0xFFFFFFFF;
	(pc) =	sbr.abs _section_cstart, $3  }
0xc3: {  	[dreg:$0x1] =	wrdreg $0xFFFFFFFF  }
0xc4: {  	_ =	task.clear_ibuf [dreg:s9], $0x2FFFF;
	_ =	strace $0x9FFFFFFF  }
0xc5: {  	(tm) =	ssettm $0x7FFFFFFF  }
tec
execute0_lowered:
.L_overlay_start_1:
0x0: {  	(tag) =	ssettag $0x1  }
0x1: {  	s0 =	rddreg [dreg:$0x0]  }
0x2: {  	s1 =	rddreg [dreg:$0x1]  }
0x3: {  	s2 =	rddreg [dreg:$0x2]  }
0x4: {  	s4 =	srdreg.scid;
	s3 =	simm.s32 $0x0;
	s13 =	stileid.u32  }
0x5: {  	s29 =	simm.s32 $0x2;
	s30 =	simm.s32 $0x3;
	s31 =	simm.s32 $0x8  }
0x6: {  	s4 =	sand.u32 $0x1, s4;
	s6 =	sshll.u32 s13, $0xA;
	[smem:$0x7FF] =	sst s3  }
0x7: {  	s10 =	sadd.s32 $0x600, s1;
	s12 =	sadd.s32 $0x700, s1;
	s7 =	sshll.u32 s4, $0x9  }
0x8: {  	s23 =	sshll.u32 s13, $0x12;
	s13 =	simm.s32 $0xA;
	s9 =	sor.u32 s7, s6  }
0x9: {  	s5 =	ssub.s32 $0x2, s4;
	_ =	strace $0x80000047;
	s15 =	sshrl.u32 s9, $0x3  }
0xa: {  	s8 =	sshrl.u32 s5, $0x1;
	s16 =	sshll.u32 s9, $0x8;
	s0 =	sadd.s32 s0, s15  }
0xb: {  	s11 =	ssub.s32 s5, s8;
	s14 =	sadd.s32 s2, s16;
	[dreg:$0x5] =	wrdreg s0  }
0xc: {  	s25 =	sshll.u32 s4, $0x11;
	s28 =	smax.u32 s11, $0x1;
	[dreg:$0x6] =	wrdreg s14  }
0xd: {  	s4 =	simm.s32 $0x9;
	s0 =	sadd.s32 $0x800, s14;
	[dreg:$0x10] =	wrdreg s28  }
0xe: {  	s6 =	sadd.s32 $0x200, s1;
	s17 =	sadd.s32 $0x1000, s14;
	[dreg:$0x7] =	wrdreg s0  }
0xf: {  	s7 =	sadd.s32 $0x300, s1;
	s18 =	sadd.s32 $0x1800, s14;
	[dreg:$0x8] =	wrdreg s17  }
0x10: {  	s5 =	sadd.s32 $0x100, s1;
	s19 =	sadd.s32 $0x2000, s14;
	[dreg:$0x9] =	wrdreg s18  }
0x11: {  	s8 =	sadd.s32 $0x400, s1;
	s20 =	sadd.s32 $0x2800, s14;
	[dreg:$0xa] =	wrdreg s19  }
0x12: {  	s9 =	sadd.s32 $0x500, s1;
	s21 =	sadd.s32 $0x1E000, s14;
	[dreg:$0xb] =	wrdreg s20  }
0x13: {  	s15 =	simm.s32 $0x2200;
	s22 =	sadd.s32 $0x1E800, s14;
	[dreg:$0xc] =	wrdreg s21  }
0x14: {  	s16 =	simm.s32 $0x7;
	s24 =	sadd.s32 $0x1F000, s14;
	[dreg:$0xd] =	wrdreg s22  }
0x15: {  	s11 =	simm.s32 $0x0;
	s26 =	sadd.s32 $0x1F800, s14;
	[dreg:$0xe] =	wrdreg s24  }
0x16: {  	s14 =	simm.s32 $0xB;
	s0 =	sadd.s32 s23, s2;
	[dreg:$0xf] =	wrdreg s26  }
0x17: {  	s21 =	simm.s32 $0xA00;
	s19 =	simm.s32 $0x1200;
	s2 =	simm.s32 $0x1A00  }
0x18: {  	v0 =	vlaneseq.u32;
	s24 =	simm.s32 $0x2A00;
	s17 =	simm.s32 $0x3200;
	s26 =	simm.s32 $0x3A00  }
0x19: {  	v1 =	vshrl.u32 v0, $0x3;
	s23 =	simm.s32 $0x5;
	s18 =	simm.s32 $0x6;
	s0 =	sadd.s32 s25, s0  }
0x1a: {  	vm0 =	vmmov $0xffff;
	v0 =	vand.u32 $0x7, v0;
	v1 =	vmul.u32 $0x8, v1;
	s25 =	simm.s32 $0xC;
	[dreg:$0x4] =	wrdreg s0;
	s0 =	simm.s32 $0x4  }
.LBB2_1:
0x1b: {  	[dreg:$0x11] =	wrdreg s11  }
0x1c: {  	s20 =	rddreg [dreg:$0x5];
	s11 =	simm.s32 $0xD  }
0x1d: {  	[tilespmem:s3], [sflag:$0xD] =	stream.linear.gather [hbm4b:s20+s3], $0x200, $0x38;
	[tilespmem:$0x18200] =	vst v63  }
0x1e: {  	_ =	swait.ge [sflag:s11], $0x200  }
0x1f: {  	[sflag:s11] =	ssyncset.done $0x0  }
0x20: {  	[sflag:s11] =	ssyncadd.s32 $0xFFFFFE00  }
0x21: {  	v2 =	vld.msk [tilespmem:$0x0], $0xff;
	_ =	sdelay $0x4  }
0x22: {  	v3 =	vshll.u32 v2, $0x4  }
0x23: {  	v2 =	vand.u32 $0x7, v2;
	v3 =	vand.u32 $0xFFFFFF80, v3  }
0x24: {  	v2 =	vor.u32 v2, v3  }
0x25: {  	v2 =	vperm.xlane v2, v0;
	_ =	sdelay $0x1  }
0x26: {  	v2 =	vadd.s32 v1, v2;
	_ =	sdelay $0x3  }
0x27: {  	s22 =	simm.s32 $0x200  }
0x28: {  	[tilespmem:s22], [sflag:$0x1] =	stream.indirect_vreg.gather [hbm4b:s1+s3], $0x80, v2, vm0, $0xb8;
	[tilespmem:$0x18200] =	vst v63  }
0x29: {  	_ = 	snop  }
0x2a: {  	[tilespmem:s21], [sflag:$0x1] =	stream.indirect_vreg.gather [hbm4b:s5+s3], $0x80, v2, vm0, $0xb8;
	[tilespmem:$0x18200] =	vst v63  }
0x2b: {  	_ = 	snop  }
0x2c: {  	[tilespmem:s19], [sflag:$0x1] =	stream.indirect_vreg.gather [hbm4b:s6+s3], $0x80, v2, vm0, $0xb8;
	[tilespmem:$0x18200] =	vst v63  }
0x2d: {  	_ = 	snop  }
0x2e: {  	[tilespmem:s2], [sflag:$0x1] =	stream.indirect_vreg.gather [hbm4b:s7+s3], $0x80, v2, vm0, $0xb8;
	[tilespmem:$0x18200] =	vst v63  }
0x2f: {  	_ = 	snop  }
0x30: {  	[tilespmem:s15], [sflag:$0x1] =	stream.indirect_vreg.gather [hbm4b:s8+s3], $0x80, v2, vm0, $0xb8;
	[tilespmem:$0x18200] =	vst v63  }
0x31: {  	_ = 	snop  }
0x32: {  	[tilespmem:s24], [sflag:$0x1] =	stream.indirect_vreg.gather [hbm4b:s9+s3], $0x80, v2, vm0, $0xb8;
	[tilespmem:$0x18200] =	vst v63  }
0x33: {  	_ = 	snop  }
0x34: {  	[tilespmem:s17], [sflag:$0x1] =	stream.indirect_vreg.gather [hbm4b:s10+s3], $0x80, v2, vm0, $0xb8;
	[tilespmem:$0x18200] =	vst v63  }
0x35: {  	_ = 	snop  }
0x36: {  	[tilespmem:s26], [sflag:$0x1] =	stream.indirect_vreg.gather [hbm4b:s12+s3], $0x80, v2, vm0, $0xb8;
	[tilespmem:$0x18200] =	vst v63  }
0x37: {  	v2 =	vld.msk [tilespmem:$0x8], $0xff;
	_ =	sdelay $0x4  }
0x38: {  	v3 =	vshll.u32 v2, $0x4  }
0x39: {  	v2 =	vand.u32 $0x7, v2;
	v3 =	vand.u32 $0xFFFFFF80, v3  }
0x3a: {  	v2 =	vor.u32 v2, v3  }
0x3b: {  	v2 =	vperm.xlane v2, v0;
	_ =	sdelay $0x1  }
0x3c: {  	v2 =	vadd.s32 v1, v2;
	_ =	sdelay $0x3  }
0x3d: {  	s28 =	simm.s32 $0x4200  }
0x3e: {  	[tilespmem:s28], [sflag:$0x2] =	stream.indirect_vreg.gather [hbm4b:s1+s3], $0x80, v2, vm0, $0xb8;
	[tilespmem:$0x18200] =	vst v63  }
0x3f: {  	s20 =	simm.s32 $0x4A00  }
0x40: {  	[tilespmem:s20], [sflag:$0x2] =	stream.indirect_vreg.gather [hbm4b:s5+s3], $0x80, v2, vm0, $0xb8;
	[tilespmem:$0x18200] =	vst v63  }
0x41: {  	s20 =	simm.s32 $0x5200  }
0x42: {  	[tilespmem:s20], [sflag:$0x2] =	stream.indirect_vreg.gather [hbm4b:s6+s3], $0x80, v2, vm0, $0xb8;
	[tilespmem:$0x18200] =	vst v63  }
0x43: {  	s20 =	simm.s32 $0x5A00  }
0x44: {  	[tilespmem:s20], [sflag:$0x2] =	stream.indirect_vreg.gather [hbm4b:s7+s3], $0x80, v2, vm0, $0xb8;
	[tilespmem:$0x18200] =	vst v63  }
0x45: {  	s20 =	simm.s32 $0x6200  }
0x46: {  	[tilespmem:s20], [sflag:$0x2] =	stream.indirect_vreg.gather [hbm4b:s8+s3], $0x80, v2, vm0, $0xb8;
	[tilespmem:$0x18200] =	vst v63  }
0x47: {  	s20 =	simm.s32 $0x6A00  }
0x48: {  	[tilespmem:s20], [sflag:$0x2] =	stream.indirect_vreg.gather [hbm4b:s9+s3], $0x80, v2, vm0, $0xb8;
	[tilespmem:$0x18200] =	vst v63  }
0x49: {  	s20 =	simm.s32 $0x7200  }
0x4a: {  	[tilespmem:s20], [sflag:$0x2] =	stream.indirect_vreg.gather [hbm4b:s10+s3], $0x80, v2, vm0, $0xb8;
	[tilespmem:$0x18200] =	vst v63  }
0x4b: {  	s20 =	simm.s32 $0x7A00  }
0x4c: {  	[tilespmem:s20], [sflag:$0x2] =	stream.indirect_vreg.gather [hbm4b:s12+s3], $0x80, v2, vm0, $0xb8;
	[tilespmem:$0x18200] =	vst v63  }
0x4d: {  	v2 =	vld.msk [tilespmem:$0x10], $0xff;
	_ =	sdelay $0x4  }
0x4e: {  	v3 =	vshll.u32 v2, $0x4  }
0x4f: {  	v2 =	vand.u32 $0x7, v2;
	v3 =	vand.u32 $0xFFFFFF80, v3  }
0x50: {  	v2 =	vor.u32 v2, v3  }
0x51: {  	v2 =	vperm.xlane v2, v0;
	_ =	sdelay $0x1  }
0x52: {  	v2 =	vadd.s32 v1, v2;
	_ =	sdelay $0x3  }
0x53: {  	s20 =	simm.s32 $0x8200  }
0x54: {  	[tilespmem:s20], [sflag:$0x3] =	stream.indirect_vreg.gather [hbm4b:s1+s3], $0x80, v2, vm0, $0xb8;
	[tilespmem:$0x18200] =	vst v63  }
0x55: {  	s20 =	simm.s32 $0x8A00  }
0x56: {  	[tilespmem:s20], [sflag:$0x3] =	stream.indirect_vreg.gather [hbm4b:s5+s3], $0x80, v2, vm0, $0xb8;
	[tilespmem:$0x18200] =	vst v63  }
0x57: {  	s20 =	simm.s32 $0x9200  }
0x58: {  	[tilespmem:s20], [sflag:$0x3] =	stream.indirect_vreg.gather [hbm4b:s6+s3], $0x80, v2, vm0, $0xb8;
	[tilespmem:$0x18200] =	vst v63  }
0x59: {  	s20 =	simm.s32 $0x9A00  }
0x5a: {  	[tilespmem:s20], [sflag:$0x3] =	stream.indirect_vreg.gather [hbm4b:s7+s3], $0x80, v2, vm0, $0xb8;
	[tilespmem:$0x18200] =	vst v63  }
0x5b: {  	s20 =	simm.s32 $0xA200  }
0x5c: {  	[tilespmem:s20], [sflag:$0x3] =	stream.indirect_vreg.gather [hbm4b:s8+s3], $0x80, v2, vm0, $0xb8;
	[tilespmem:$0x18200] =	vst v63  }
0x5d: {  	s20 =	simm.s32 $0xAA00  }
0x5e: {  	[tilespmem:s20], [sflag:$0x3] =	stream.indirect_vreg.gather [hbm4b:s9+s3], $0x80, v2, vm0, $0xb8;
	[tilespmem:$0x18200] =	vst v63  }
0x5f: {  	s20 =	simm.s32 $0xB200  }
0x60: {  	[tilespmem:s20], [sflag:$0x3] =	stream.indirect_vreg.gather [hbm4b:s10+s3], $0x80, v2, vm0, $0xb8;
	[tilespmem:$0x18200] =	vst v63  }
0x61: {  	s20 =	simm.s32 $0xBA00  }
0x62: {  	[tilespmem:s20], [sflag:$0x3] =	stream.indirect_vreg.gather [hbm4b:s12+s3], $0x80, v2, vm0, $0xb8;
	[tilespmem:$0x18200] =	vst v63  }
0x63: {  	v2 =	vld.msk [tilespmem:$0x18], $0xff;
	_ =	sdelay $0x4  }
0x64: {  	v3 =	vshll.u32 v2, $0x4  }
0x65: {  	v2 =	vand.u32 $0x7, v2;
	v3 =	vand.u32 $0xFFFFFF80, v3  }
0x66: {  	v2 =	vor.u32 v2, v3  }
0x67: {  	v2 =	vperm.xlane v2, v0;
	_ =	sdelay $0x1  }
0x68: {  	v2 =	vadd.s32 v1, v2;
	_ =	sdelay $0x3  }
0x69: {  	s20 =	simm.s32 $0xC200  }
0x6a: {  	[tilespmem:s20], [sflag:$0x4] =	stream.indirect_vreg.gather [hbm4b:s1+s3], $0x80, v2, vm0, $0xb8;
	[tilespmem:$0x18200] =	vst v63  }
0x6b: {  	s20 =	simm.s32 $0xCA00  }
0x6c: {  	[tilespmem:s20], [sflag:$0x4] =	stream.indirect_vreg.gather [hbm4b:s5+s3], $0x80, v2, vm0, $0xb8;
	[tilespmem:$0x18200] =	vst v63  }
0x6d: {  	s20 =	simm.s32 $0xD200  }
0x6e: {  	[tilespmem:s20], [sflag:$0x4] =	stream.indirect_vreg.gather [hbm4b:s6+s3], $0x80, v2, vm0, $0xb8;
	[tilespmem:$0x18200] =	vst v63  }
0x6f: {  	s20 =	simm.s32 $0xDA00  }
0x70: {  	[tilespmem:s20], [sflag:$0x4] =	stream.indirect_vreg.gather [hbm4b:s7+s3], $0x80, v2, vm0, $0xb8;
	[tilespmem:$0x18200] =	vst v63  }
0x71: {  	s20 =	simm.s32 $0xE200  }
0x72: {  	[tilespmem:s20], [sflag:$0x4] =	stream.indirect_vreg.gather [hbm4b:s8+s3], $0x80, v2, vm0, $0xb8;
	[tilespmem:$0x18200] =	vst v63  }
0x73: {  	s20 =	simm.s32 $0xEA00  }
0x74: {  	[tilespmem:s20], [sflag:$0x4] =	stream.indirect_vreg.gather [hbm4b:s9+s3], $0x80, v2, vm0, $0xb8;
	[tilespmem:$0x18200] =	vst v63  }
0x75: {  	s20 =	simm.s32 $0xF200  }
0x76: {  	[tilespmem:s20], [sflag:$0x4] =	stream.indirect_vreg.gather [hbm4b:s10+s3], $0x80, v2, vm0, $0xb8;
	[tilespmem:$0x18200] =	vst v63  }
0x77: {  	s20 =	simm.s32 $0xFA00  }
0x78: {  	[tilespmem:s20], [sflag:$0x4] =	stream.indirect_vreg.gather [hbm4b:s12+s3], $0x80, v2, vm0, $0xb8;
	[tilespmem:$0x18200] =	vst v63  }
0x79: {  	v2 =	vld.msk [tilespmem:$0x20], $0xff;
	_ =	sdelay $0x4  }
0x7a: {  	v3 =	vshll.u32 v2, $0x4  }
0x7b: {  	v2 =	vand.u32 $0x7, v2;
	v3 =	vand.u32 $0xFFFFFF80, v3  }
0x7c: {  	v2 =	vor.u32 v2, v3  }
0x7d: {  	v2 =	vperm.xlane v2, v0;
	_ =	sdelay $0x1  }
0x7e: {  	v2 =	vadd.s32 v1, v2;
	_ =	sdelay $0x3  }
0x7f: {  	s11 =	simm.s32 $0x10200  }
0x80: {  	[tilespmem:s11], [sflag:$0x5] =	stream.indirect_vreg.gather [hbm4b:s1+s3], $0x80, v2, vm0, $0xb8;
	[tilespmem:$0x18200] =	vst v63  }
0x81: {  	s20 =	simm.s32 $0x10A00  }
0x82: {  	[tilespmem:s20], [sflag:$0x5] =	stream.indirect_vreg.gather [hbm4b:s5+s3], $0x80, v2, vm0, $0xb8;
	[tilespmem:$0x18200] =	vst v63  }
0x83: {  	s20 =	simm.s32 $0x11200  }
0x84: {  	[tilespmem:s20], [sflag:$0x5] =	stream.indirect_vreg.gather [hbm4b:s6+s3], $0x80, v2, vm0, $0xb8;
	[tilespmem:$0x18200] =	vst v63  }
0x85: {  	s20 =	simm.s32 $0x11A00  }
0x86: {  	[tilespmem:s20], [sflag:$0x5] =	stream.indirect_vreg.gather [hbm4b:s7+s3], $0x80, v2, vm0, $0xb8;
	[tilespmem:$0x18200] =	vst v63  }
0x87: {  	s20 =	simm.s32 $0x12200  }
0x88: {  	[tilespmem:s20], [sflag:$0x5] =	stream.indirect_vreg.gather [hbm4b:s8+s3], $0x80, v2, vm0, $0xb8;
	[tilespmem:$0x18200] =	vst v63  }
0x89: {  	s20 =	simm.s32 $0x12A00  }
0x8a: {  	[tilespmem:s20], [sflag:$0x5] =	stream.indirect_vreg.gather [hbm4b:s9+s3], $0x80, v2, vm0, $0xb8;
	[tilespmem:$0x18200] =	vst v63  }
0x8b: {  	s20 =	simm.s32 $0x13200  }
0x8c: {  	[tilespmem:s20], [sflag:$0x5] =	stream.indirect_vreg.gather [hbm4b:s10+s3], $0x80, v2, vm0, $0xb8;
	[tilespmem:$0x18200] =	vst v63  }
0x8d: {  	s20 =	simm.s32 $0x13A00  }
0x8e: {  	[tilespmem:s20], [sflag:$0x5] =	stream.indirect_vreg.gather [hbm4b:s12+s3], $0x80, v2, vm0, $0xb8;
	[tilespmem:$0x18200] =	vst v63  }
0x8f: {  	s20 =	simm.s32 $0x1  }
0x90: {  	_ =	swait.ge [sflag:s20], $0x4000  }
0x91: {  	[sflag:s20] =	ssyncset.done $0x0  }
0x92: {  	s11 =	rddreg [dreg:$0x6];
	[sflag:s20] =	ssyncadd.s32 $0xFFFFC000  }
0x93: {  	[hbm4b:s11+s3] =	stream.linear.scatter [tilespmem:s22], [sflag:$0x7], $0x4000, $0x38;
	[tilespmem:$0x18200] =	vst v63  }
0x94: {  	v2 =	vld.msk [tilespmem:$0x28], $0xff;
	_ =	sdelay $0x4  }
0x95: {  	v3 =	vshll.u32 v2, $0x4  }
0x96: {  	v2 =	vand.u32 $0x7, v2;
	v3 =	vand.u32 $0xFFFFFF80, v3  }
0x97: {  	v2 =	vor.u32 v2, v3  }
0x98: {  	v2 =	vperm.xlane v2, v0;
	_ =	sdelay $0x1  }
0x99: {  	v2 =	vadd.s32 v1, v2;
	_ =	sdelay $0x3  }
0x9a: {  	s20 =	simm.s32 $0x14200  }
0x9b: {  	[tilespmem:s20], [sflag:$0x6] =	stream.indirect_vreg.gather [hbm4b:s1+s3], $0x80, v2, vm0, $0xb8;
	[tilespmem:$0x18200] =	vst v63  }
0x9c: {  	s20 =	simm.s32 $0x14A00  }
0x9d: {  	[tilespmem:s20], [sflag:$0x6] =	stream.indirect_vreg.gather [hbm4b:s5+s3], $0x80, v2, vm0, $0xb8;
	[tilespmem:$0x18200] =	vst v63  }
0x9e: {  	s20 =	simm.s32 $0x15200  }
0x9f: {  	[tilespmem:s20], [sflag:$0x6] =	stream.indirect_vreg.gather [hbm4b:s6+s3], $0x80, v2, vm0, $0xb8;
	[tilespmem:$0x18200] =	vst v63  }
0xa0: {  	s20 =	simm.s32 $0x15A00  }
0xa1: {  	[tilespmem:s20], [sflag:$0x6] =	stream.indirect_vreg.gather [hbm4b:s7+s3], $0x80, v2, vm0, $0xb8;
	[tilespmem:$0x18200] =	vst v63  }
0xa2: {  	s20 =	simm.s32 $0x16200  }
0xa3: {  	[tilespmem:s20], [sflag:$0x6] =	stream.indirect_vreg.gather [hbm4b:s8+s3], $0x80, v2, vm0, $0xb8;
	[tilespmem:$0x18200] =	vst v63  }
0xa4: {  	s20 =	simm.s32 $0x16A00  }
0xa5: {  	[tilespmem:s20], [sflag:$0x6] =	stream.indirect_vreg.gather [hbm4b:s9+s3], $0x80, v2, vm0, $0xb8;
	[tilespmem:$0x18200] =	vst v63  }
0xa6: {  	s20 =	simm.s32 $0x17200  }
0xa7: {  	[tilespmem:s20], [sflag:$0x6] =	stream.indirect_vreg.gather [hbm4b:s10+s3], $0x80, v2, vm0, $0xb8;
	[tilespmem:$0x18200] =	vst v63  }
0xa8: {  	s20 =	simm.s32 $0x17A00  }
0xa9: {  	[tilespmem:s20], [sflag:$0x6] =	stream.indirect_vreg.gather [hbm4b:s12+s3], $0x80, v2, vm0, $0xb8;
	[tilespmem:$0x18200] =	vst v63  }
0xaa: {  	_ =	swait.ge [sflag:s29], $0x4000  }
0xab: {  	[sflag:s29] =	ssyncset.done $0x0  }
0xac: {  	s11 =	rddreg [dreg:$0x7];
	[sflag:s29] =	ssyncadd.s32 $0xFFFFC000  }
0xad: {  	[hbm4b:s11+s3] =	stream.linear.scatter [tilespmem:s28], [sflag:$0x8], $0x4000, $0x38;
	[tilespmem:$0x18200] =	vst v63  }
0xae: {  	_ =	swait.ge [sflag:s16], $0x4000  }
0xaf: {  	[sflag:s16] =	ssyncset.done $0x0  }
0xb0: {  	[sflag:s16] =	ssyncadd.s32 $0xFFFFC000  }
0xb1: {  	v2 =	vld.msk [tilespmem:$0x30], $0xff;
	_ =	sdelay $0x4  }
0xb2: {  	v3 =	vshll.u32 v2, $0x4  }
0xb3: {  	v2 =	vand.u32 $0x7, v2;
	v3 =	vand.u32 $0xFFFFFF80, v3  }
0xb4: {  	v2 =	vor.u32 v2, v3  }
0xb5: {  	v2 =	vperm.xlane v2, v0;
	_ =	sdelay $0x1  }
0xb6: {  	v2 =	vadd.s32 v1, v2;
	_ =	sdelay $0x4  }
0xb7: {  	[tilespmem:s22], [sflag:$0x1] =	stream.indirect_vreg.gather [hbm4b:s1+s3], $0x80, v2, vm0, $0xb8;
	[tilespmem:$0x18200] =	vst v63  }
0xb8: {  	_ = 	snop  }
0xb9: {  	[tilespmem:s21], [sflag:$0x1] =	stream.indirect_vreg.gather [hbm4b:s5+s3], $0x80, v2, vm0, $0xb8;
	[tilespmem:$0x18200] =	vst v63  }
0xba: {  	_ = 	snop  }
0xbb: {  	[tilespmem:s19], [sflag:$0x1] =	stream.indirect_vreg.gather [hbm4b:s6+s3], $0x80, v2, vm0, $0xb8;
	[tilespmem:$0x18200] =	vst v63  }
0xbc: {  	_ = 	snop  }
0xbd: {  	[tilespmem:s2], [sflag:$0x1] =	stream.indirect_vreg.gather [hbm4b:s7+s3], $0x80, v2, vm0, $0xb8;
	[tilespmem:$0x18200] =	vst v63  }
0xbe: {  	_ = 	snop  }
0xbf: {  	[tilespmem:s15], [sflag:$0x1] =	stream.indirect_vreg.gather [hbm4b:s8+s3], $0x80, v2, vm0, $0xb8;
	[tilespmem:$0x18200] =	vst v63  }
0xc0: {  	_ = 	snop  }
0xc1: {  	[tilespmem:s24], [sflag:$0x1] =	stream.indirect_vreg.gather [hbm4b:s9+s3], $0x80, v2, vm0, $0xb8;
	[tilespmem:$0x18200] =	vst v63  }
0xc2: {  	_ = 	snop  }
0xc3: {  	[tilespmem:s17], [sflag:$0x1] =	stream.indirect_vreg.gather [hbm4b:s10+s3], $0x80, v2, vm0, $0xb8;
	[tilespmem:$0x18200] =	vst v63  }
0xc4: {  	_ = 	snop  }
0xc5: {  	[tilespmem:s26], [sflag:$0x1] =	stream.indirect_vreg.gather [hbm4b:s12+s3], $0x80, v2, vm0, $0xb8;
	[tilespmem:$0x18200] =	vst v63  }
0xc6: {  	_ =	swait.ge [sflag:s30], $0x4000  }
0xc7: {  	[sflag:s30] =	ssyncset.done $0x0  }
0xc8: {  	s11 =	simm.s32 $0x8200;
	s21 =	rddreg [dreg:$0x8];
	[sflag:s30] =	ssyncadd.s32 $0xFFFFC000  }
0xc9: {  	[hbm4b:s21+s3] =	stream.linear.scatter [tilespmem:s11], [sflag:$0x9], $0x4000, $0x38;
	[tilespmem:$0x18200] =	vst v63  }
0xca: {  	_ =	swait.ge [sflag:s31], $0x4000  }
0xcb: {  	[sflag:s31] =	ssyncset.done $0x0  }
0xcc: {  	[sflag:s31] =	ssyncadd.s32 $0xFFFFC000  }
0xcd: {  	v2 =	vld.msk [tilespmem:$0x38], $0xff;
	_ =	sdelay $0x4  }
0xce: {  	v3 =	vshll.u32 v2, $0x4  }
0xcf: {  	v2 =	vand.u32 $0x7, v2;
	v3 =	vand.u32 $0xFFFFFF80, v3  }
0xd0: {  	v2 =	vor.u32 v2, v3  }
0xd1: {  	v2 =	vperm.xlane v2, v0;
	_ =	sdelay $0x1  }
0xd2: {  	v2 =	vadd.s32 v1, v2;
	_ =	sdelay $0x4  }
0xd3: {  	[tilespmem:s28], [sflag:$0x2] =	stream.indirect_vreg.gather [hbm4b:s1+s3], $0x80, v2, vm0, $0xb8;
	[tilespmem:$0x18200] =	vst v63  }
0xd4: {  	s24 =	simm.s32 $0x4A00  }
0xd5: {  	[tilespmem:s24], [sflag:$0x2] =	stream.indirect_vreg.gather [hbm4b:s5+s3], $0x80, v2, vm0, $0xb8;
	[tilespmem:$0x18200] =	vst v63  }
0xd6: {  	s26 =	simm.s32 $0x5200  }
0xd7: {  	[tilespmem:s26], [sflag:$0x2] =	stream.indirect_vreg.gather [hbm4b:s6+s3], $0x80, v2, vm0, $0xb8;
	[tilespmem:$0x18200] =	vst v63  }
0xd8: {  	s15 =	simm.s32 $0x5A00  }
0xd9: {  	[tilespmem:s15], [sflag:$0x2] =	stream.indirect_vreg.gather [hbm4b:s7+s3], $0x80, v2, vm0, $0xb8;
	[tilespmem:$0x18200] =	vst v63  }
0xda: {  	s17 =	simm.s32 $0x6200  }
0xdb: {  	[tilespmem:s17], [sflag:$0x2] =	stream.indirect_vreg.gather [hbm4b:s8+s3], $0x80, v2, vm0, $0xb8;
	[tilespmem:$0x18200] =	vst v63  }
0xdc: {  	s19 =	simm.s32 $0x6A00  }
0xdd: {  	[tilespmem:s19], [sflag:$0x2] =	stream.indirect_vreg.gather [hbm4b:s9+s3], $0x80, v2, vm0, $0xb8;
	[tilespmem:$0x18200] =	vst v63  }
0xde: {  	s20 =	simm.s32 $0x7200  }
0xdf: {  	[tilespmem:s20], [sflag:$0x2] =	stream.indirect_vreg.gather [hbm4b:s10+s3], $0x80, v2, vm0, $0xb8;
	[tilespmem:$0x18200] =	vst v63  }
0xe0: {  	s21 =	simm.s32 $0x7A00  }
0xe1: {  	[tilespmem:s21], [sflag:$0x2] =	stream.indirect_vreg.gather [hbm4b:s12+s3], $0x80, v2, vm0, $0xb8;
	[tilespmem:$0x18200] =	vst v63  }
0xe2: {  	_ =	swait.ge [sflag:s0], $0x4000  }
0xe3: {  	[sflag:s0] =	ssyncset.done $0x0  }
0xe4: {  	s2 =	simm.s32 $0xC200;
	s24 =	rddreg [dreg:$0x9];
	[sflag:s0] =	ssyncadd.s32 $0xFFFFC000  }
0xe5: {  	[hbm4b:s24+s3] =	stream.linear.scatter [tilespmem:s2], [sflag:$0xA], $0x4000, $0x38;
	[tilespmem:$0x18200] =	vst v63  }
0xe6: {  	_ =	swait.ge [sflag:s4], $0x4000  }
0xe7: {  	[sflag:s4] =	ssyncset.done $0x0  }
0xe8: {  	[sflag:s4] =	ssyncadd.s32 $0xFFFFC000  }
0xe9: {  	v2 =	vld.msk [tilespmem:$0x40], $0xff;
	_ =	sdelay $0x4  }
0xea: {  	v3 =	vshll.u32 v2, $0x4  }
0xeb: {  	v2 =	vand.u32 $0x7, v2;
	v3 =	vand.u32 $0xFFFFFF80, v3  }
0xec: {  	v2 =	vor.u32 v2, v3  }
0xed: {  	v2 =	vperm.xlane v2, v0;
	_ =	sdelay $0x1  }
0xee: {  	v2 =	vadd.s32 v1, v2;
	_ =	sdelay $0x4  }
0xef: {  	[tilespmem:s11], [sflag:$0x3] =	stream.indirect_vreg.gather [hbm4b:s1+s3], $0x80, v2, vm0, $0xb8;
	[tilespmem:$0x18200] =	vst v63  }
0xf0: {  	s26 =	simm.s32 $0x8A00  }
0xf1: {  	[tilespmem:s26], [sflag:$0x3] =	stream.indirect_vreg.gather [hbm4b:s5+s3], $0x80, v2, vm0, $0xb8;
	[tilespmem:$0x18200] =	vst v63  }
0xf2: {  	s15 =	simm.s32 $0x9200  }
0xf3: {  	[tilespmem:s15], [sflag:$0x3] =	stream.indirect_vreg.gather [hbm4b:s6+s3], $0x80, v2, vm0, $0xb8;
	[tilespmem:$0x18200] =	vst v63  }
0xf4: {  	s17 =	simm.s32 $0x9A00  }
0xf5: {  	[tilespmem:s17], [sflag:$0x3] =	stream.indirect_vreg.gather [hbm4b:s7+s3], $0x80, v2, vm0, $0xb8;
	[tilespmem:$0x18200] =	vst v63  }
0xf6: {  	s19 =	simm.s32 $0xA200  }
0xf7: {  	[tilespmem:s19], [sflag:$0x3] =	stream.indirect_vreg.gather [hbm4b:s8+s3], $0x80, v2, vm0, $0xb8;
	[tilespmem:$0x18200] =	vst v63  }
0xf8: {  	s20 =	simm.s32 $0xAA00  }
0xf9: {  	[tilespmem:s20], [sflag:$0x3] =	stream.indirect_vreg.gather [hbm4b:s9+s3], $0x80, v2, vm0, $0xb8;
	[tilespmem:$0x18200] =	vst v63  }
0xfa: {  	s21 =	simm.s32 $0xB200  }
0xfb: {  	[tilespmem:s21], [sflag:$0x3] =	stream.indirect_vreg.gather [hbm4b:s10+s3], $0x80, v2, vm0, $0xb8;
	[tilespmem:$0x18200] =	vst v63  }
0xfc: {  	s24 =	simm.s32 $0xBA00  }
0xfd: {  	[tilespmem:s24], [sflag:$0x3] =	stream.indirect_vreg.gather [hbm4b:s12+s3], $0x80, v2, vm0, $0xb8;
	[tilespmem:$0x18200] =	vst v63  }
0xfe: {  	_ =	swait.ge [sflag:s23], $0x4000  }
0xff: {  	[sflag:s23] =	ssyncset.done $0x0  }
0x100: {  	s22 =	simm.s32 $0x10200;
	s26 =	rddreg [dreg:$0xa];
	[sflag:s23] =	ssyncadd.s32 $0xFFFFC000  }
0x101: {  	[hbm4b:s26+s3] =	stream.linear.scatter [tilespmem:s22], [sflag:$0xB], $0x4000, $0x38;
	[tilespmem:$0x18200] =	vst v63  }
0x102: {  	_ =	swait.ge [sflag:s13], $0x4000  }
0x103: {  	[sflag:s13] =	ssyncset.done $0x0  }
0x104: {  	[sflag:s13] =	ssyncadd.s32 $0xFFFFC000  }
0x105: {  	v2 =	vld.msk [tilespmem:$0x48], $0xff;
	_ =	sdelay $0x4  }
0x106: {  	v3 =	vshll.u32 v2, $0x4  }
0x107: {  	v2 =	vand.u32 $0x7, v2;
	v3 =	vand.u32 $0xFFFFFF80, v3  }
0x108: {  	v2 =	vor.u32 v2, v3  }
0x109: {  	v2 =	vperm.xlane v2, v0;
	_ =	sdelay $0x1  }
0x10a: {  	v2 =	vadd.s32 v1, v2;
	_ =	sdelay $0x4  }
0x10b: {  	[tilespmem:s2], [sflag:$0x4] =	stream.indirect_vreg.gather [hbm4b:s1+s3], $0x80, v2, vm0, $0xb8;
	[tilespmem:$0x18200] =	vst v63  }
0x10c: {  	s11 =	simm.s32 $0xCA00  }
0x10d: {  	[tilespmem:s11], [sflag:$0x4] =	stream.indirect_vreg.gather [hbm4b:s5+s3], $0x80, v2, vm0, $0xb8;
	[tilespmem:$0x18200] =	vst v63  }
0x10e: {  	s15 =	simm.s32 $0xD200  }
0x10f: {  	[tilespmem:s15], [sflag:$0x4] =	stream.indirect_vreg.gather [hbm4b:s6+s3], $0x80, v2, vm0, $0xb8;
	[tilespmem:$0x18200] =	vst v63  }
0x110: {  	s17 =	simm.s32 $0xDA00  }
0x111: {  	[tilespmem:s17], [sflag:$0x4] =	stream.indirect_vreg.gather [hbm4b:s7+s3], $0x80, v2, vm0, $0xb8;
	[tilespmem:$0x18200] =	vst v63  }
0x112: {  	s19 =	simm.s32 $0xE200  }
0x113: {  	[tilespmem:s19], [sflag:$0x4] =	stream.indirect_vreg.gather [hbm4b:s8+s3], $0x80, v2, vm0, $0xb8;
	[tilespmem:$0x18200] =	vst v63  }
0x114: {  	s20 =	simm.s32 $0xEA00  }
0x115: {  	[tilespmem:s20], [sflag:$0x4] =	stream.indirect_vreg.gather [hbm4b:s9+s3], $0x80, v2, vm0, $0xb8;
	[tilespmem:$0x18200] =	vst v63  }
0x116: {  	s21 =	simm.s32 $0xF200  }
0x117: {  	[tilespmem:s21], [sflag:$0x4] =	stream.indirect_vreg.gather [hbm4b:s10+s3], $0x80, v2, vm0, $0xb8;
	[tilespmem:$0x18200] =	vst v63  }
0x118: {  	s24 =	simm.s32 $0xFA00  }
0x119: {  	[tilespmem:s24], [sflag:$0x4] =	stream.indirect_vreg.gather [hbm4b:s12+s3], $0x80, v2, vm0, $0xb8;
	[tilespmem:$0x18200] =	vst v63  }
0x11a: {  	_ =	swait.ge [sflag:s18], $0x4000  }
0x11b: {  	[sflag:s18] =	ssyncset.done $0x0  }
0x11c: {  	s28 =	simm.s32 $0x14200;
	s26 =	rddreg [dreg:$0xb];
	[sflag:s18] =	ssyncadd.s32 $0xFFFFC000  }
0x11d: {  	[hbm4b:s26+s3] =	stream.linear.scatter [tilespmem:s28], [sflag:$0xC], $0x4000, $0x38;
	[tilespmem:$0x18200] =	vst v63  }
0x11e: {  	s20 =	simm.s32 $0x78;
	s26 =	simm.s32 $0x0  }
.LBB2_2:
0x11f: {  	_ =	swait.ge [sflag:s14], $0x4000  }
0x120: {  	[sflag:s14] =	ssyncset.done $0x0  }
0x121: {  	[sflag:s14] =	ssyncadd.s32 $0xFFFFC000  }
0x122: {  	v2 =	vld.msk [tilespmem:s20+$0xFFFFFFD8], $0xff;
	_ =	sdelay $0x4  }
0x123: {  	v3 =	vshll.u32 v2, $0x4  }
0x124: {  	v2 =	vand.u32 $0x7, v2;
	v3 =	vand.u32 $0xFFFFFF80, v3  }
0x125: {  	v2 =	vor.u32 v2, v3  }
0x126: {  	v2 =	vperm.xlane v2, v0;
	_ =	sdelay $0x1  }
0x127: {  	v2 =	vadd.s32 v1, v2;
	_ =	sdelay $0x4  }
0x128: {  	[tilespmem:s22], [sflag:$0x5] =	stream.indirect_vreg.gather [hbm4b:s1+s3], $0x80, v2, vm0, $0xb8;
	[tilespmem:$0x18200] =	vst v63  }
0x129: {  	s2 =	simm.s32 $0x10A00  }
0x12a: {  	[tilespmem:s2], [sflag:$0x5] =	stream.indirect_vreg.gather [hbm4b:s5+s3], $0x80, v2, vm0, $0xb8;
	[tilespmem:$0x18200] =	vst v63  }
0x12b: {  	s17 =	simm.s32 $0x11200  }
0x12c: {  	[tilespmem:s17], [sflag:$0x5] =	stream.indirect_vreg.gather [hbm4b:s6+s3], $0x80, v2, vm0, $0xb8;
	[tilespmem:$0x18200] =	vst v63  }
0x12d: {  	s19 =	simm.s32 $0x11A00  }
0x12e: {  	[tilespmem:s19], [sflag:$0x5] =	stream.indirect_vreg.gather [hbm4b:s7+s3], $0x80, v2, vm0, $0xb8;
	[tilespmem:$0x18200] =	vst v63  }
0x12f: {  	s21 =	simm.s32 $0x12200  }
0x130: {  	[tilespmem:s21], [sflag:$0x5] =	stream.indirect_vreg.gather [hbm4b:s8+s3], $0x80, v2, vm0, $0xb8;
	[tilespmem:$0x18200] =	vst v63  }
0x131: {  	s22 =	simm.s32 $0x12A00  }
0x132: {  	[tilespmem:s22], [sflag:$0x5] =	stream.indirect_vreg.gather [hbm4b:s9+s3], $0x80, v2, vm0, $0xb8;
	[tilespmem:$0x18200] =	vst v63  }
0x133: {  	s24 =	simm.s32 $0x13200  }
0x134: {  	[tilespmem:s24], [sflag:$0x5] =	stream.indirect_vreg.gather [hbm4b:s10+s3], $0x80, v2, vm0, $0xb8;
	[tilespmem:$0x18200] =	vst v63  }
0x135: {  	s11 =	simm.s32 $0x13A00;
	s15 =	simm.s32 $0x1  }
0x136: {  	[tilespmem:s11], [sflag:$0x5] =	stream.indirect_vreg.gather [hbm4b:s12+s3], $0x80, v2, vm0, $0xb8;
	[tilespmem:$0x18200] =	vst v63  }
0x137: {  	_ =	swait.ge [sflag:s15], $0x4000  }
0x138: {  	s21 =	rddreg [dreg:$0x4]  }
0x139: {  	[sflag:s15] =	ssyncset.done $0x0;
	s21 =	sadd.s32 s26, s21  }
0x13a: {  	s19 =	simm.s32 $0x200;
	[sflag:s15] =	ssyncadd.s32 $0xFFFFC000;
	s17 =	sadd.s32 $0x3000, s21  }
0x13b: {  	[hbm4b:s17+s3] =	stream.linear.scatter [tilespmem:s19], [sflag:$0x7], $0x4000, $0x38;
	[tilespmem:$0x18200] =	vst v63  }
0x13c: {  	_ =	swait.ge [sflag:s25], $0x4000  }
0x13d: {  	[sflag:s25] =	ssyncset.done $0x0  }
0x13e: {  	[sflag:s25] =	ssyncadd.s32 $0xFFFFC000  }
0x13f: {  	v2 =	vld.msk [tilespmem:s20+$0xFFFFFFE0], $0xff;
	_ =	sdelay $0x4  }
0x140: {  	v3 =	vshll.u32 v2, $0x4  }
0x141: {  	v2 =	vand.u32 $0x7, v2;
	v3 =	vand.u32 $0xFFFFFF80, v3  }
0x142: {  	v2 =	vor.u32 v2, v3  }
0x143: {  	v2 =	vperm.xlane v2, v0;
	_ =	sdelay $0x1  }
0x144: {  	v2 =	vadd.s32 v1, v2;
	_ =	sdelay $0x4  }
0x145: {  	[tilespmem:s28], [sflag:$0x6] =	stream.indirect_vreg.gather [hbm4b:s1+s3], $0x80, v2, vm0, $0xb8;
	[tilespmem:$0x18200] =	vst v63  }
0x146: {  	s22 =	simm.s32 $0x14A00  }
0x147: {  	[tilespmem:s22], [sflag:$0x6] =	stream.indirect_vreg.gather [hbm4b:s5+s3], $0x80, v2, vm0, $0xb8;
	[tilespmem:$0x18200] =	vst v63  }
0x148: {  	s24 =	simm.s32 $0x15200  }
0x149: {  	[tilespmem:s24], [sflag:$0x6] =	stream.indirect_vreg.gather [hbm4b:s6+s3], $0x80, v2, vm0, $0xb8;
	[tilespmem:$0x18200] =	vst v63  }
0x14a: {  	s15 =	simm.s32 $0x15A00  }
0x14b: {  	[tilespmem:s15], [sflag:$0x6] =	stream.indirect_vreg.gather [hbm4b:s7+s3], $0x80, v2, vm0, $0xb8;
	[tilespmem:$0x18200] =	vst v63  }
0x14c: {  	s17 =	simm.s32 $0x16200  }
0x14d: {  	[tilespmem:s17], [sflag:$0x6] =	stream.indirect_vreg.gather [hbm4b:s8+s3], $0x80, v2, vm0, $0xb8;
	[tilespmem:$0x18200] =	vst v63  }
0x14e: {  	s22 =	simm.s32 $0x16A00  }
0x14f: {  	[tilespmem:s22], [sflag:$0x6] =	stream.indirect_vreg.gather [hbm4b:s9+s3], $0x80, v2, vm0, $0xb8;
	[tilespmem:$0x18200] =	vst v63  }
0x150: {  	s24 =	simm.s32 $0x17200  }
0x151: {  	[tilespmem:s24], [sflag:$0x6] =	stream.indirect_vreg.gather [hbm4b:s10+s3], $0x80, v2, vm0, $0xb8;
	[tilespmem:$0x18200] =	vst v63  }
0x152: {  	s15 =	simm.s32 $0x17A00  }
0x153: {  	[tilespmem:s15], [sflag:$0x6] =	stream.indirect_vreg.gather [hbm4b:s12+s3], $0x80, v2, vm0, $0xb8;
	[tilespmem:$0x18200] =	vst v63  }
0x154: {  	_ =	swait.ge [sflag:s29], $0x4000  }
0x155: {  	[sflag:s29] =	ssyncset.done $0x0  }
0x156: {  	s17 =	sadd.s32 $0x3800, s21;
	s24 =	simm.s32 $0x4200;
	[sflag:s29] =	ssyncadd.s32 $0xFFFFC000  }
0x157: {  	[hbm4b:s17+s3] =	stream.linear.scatter [tilespmem:s24], [sflag:$0x8], $0x4000, $0x38;
	[tilespmem:$0x18200] =	vst v63  }
0x158: {  	_ =	swait.ge [sflag:s16], $0x4000  }
0x159: {  	[sflag:s16] =	ssyncset.done $0x0  }
0x15a: {  	[sflag:s16] =	ssyncadd.s32 $0xFFFFC000  }
0x15b: {  	v2 =	vld.msk [tilespmem:s20+$0xFFFFFFE8], $0xff;
	_ =	sdelay $0x4  }
0x15c: {  	v3 =	vshll.u32 v2, $0x4  }
0x15d: {  	v2 =	vand.u32 $0x7, v2;
	v3 =	vand.u32 $0xFFFFFF80, v3  }
0x15e: {  	v2 =	vor.u32 v2, v3  }
0x15f: {  	v2 =	vperm.xlane v2, v0;
	_ =	sdelay $0x1  }
0x160: {  	v2 =	vadd.s32 v1, v2;
	_ =	sdelay $0x4  }
0x161: {  	[tilespmem:s19], [sflag:$0x1] =	stream.indirect_vreg.gather [hbm4b:s1+s3], $0x80, v2, vm0, $0xb8;
	[tilespmem:$0x18200] =	vst v63  }
0x162: {  	s15 =	simm.s32 $0xA00  }
0x163: {  	[tilespmem:s15], [sflag:$0x1] =	stream.indirect_vreg.gather [hbm4b:s5+s3], $0x80, v2, vm0, $0xb8;
	[tilespmem:$0x18200] =	vst v63  }
0x164: {  	s19 =	simm.s32 $0x1200  }
0x165: {  	[tilespmem:s19], [sflag:$0x1] =	stream.indirect_vreg.gather [hbm4b:s6+s3], $0x80, v2, vm0, $0xb8;
	[tilespmem:$0x18200] =	vst v63  }
0x166: {  	s22 =	simm.s32 $0x1A00  }
0x167: {  	[tilespmem:s22], [sflag:$0x1] =	stream.indirect_vreg.gather [hbm4b:s7+s3], $0x80, v2, vm0, $0xb8;
	[tilespmem:$0x18200] =	vst v63  }
0x168: {  	s17 =	simm.s32 $0x2200  }
0x169: {  	[tilespmem:s17], [sflag:$0x1] =	stream.indirect_vreg.gather [hbm4b:s8+s3], $0x80, v2, vm0, $0xb8;
	[tilespmem:$0x18200] =	vst v63  }
0x16a: {  	s22 =	simm.s32 $0x2A00  }
0x16b: {  	[tilespmem:s22], [sflag:$0x1] =	stream.indirect_vreg.gather [hbm4b:s9+s3], $0x80, v2, vm0, $0xb8;
	[tilespmem:$0x18200] =	vst v63  }
0x16c: {  	s17 =	simm.s32 $0x3200  }
0x16d: {  	[tilespmem:s17], [sflag:$0x1] =	stream.indirect_vreg.gather [hbm4b:s10+s3], $0x80, v2, vm0, $0xb8;
	[tilespmem:$0x18200] =	vst v63  }
0x16e: {  	s22 =	simm.s32 $0x3A00  }
0x16f: {  	[tilespmem:s22], [sflag:$0x1] =	stream.indirect_vreg.gather [hbm4b:s12+s3], $0x80, v2, vm0, $0xb8;
	[tilespmem:$0x18200] =	vst v63  }
0x170: {  	_ =	swait.ge [sflag:s30], $0x4000  }
0x171: {  	[sflag:s30] =	ssyncset.done $0x0  }
0x172: {  	s15 =	simm.s32 $0x8200;
	s17 =	sadd.s32 $0x4000, s21;
	[sflag:s30] =	ssyncadd.s32 $0xFFFFC000  }
0x173: {  	[hbm4b:s17+s3] =	stream.linear.scatter [tilespmem:s15], [sflag:$0x9], $0x4000, $0x38;
	[tilespmem:$0x18200] =	vst v63  }
0x174: {  	_ =	swait.ge [sflag:s31], $0x4000  }
0x175: {  	[sflag:s31] =	ssyncset.done $0x0  }
0x176: {  	[sflag:s31] =	ssyncadd.s32 $0xFFFFC000  }
0x177: {  	v2 =	vld.msk [tilespmem:s20+$0xFFFFFFF0], $0xff;
	_ =	sdelay $0x4  }
0x178: {  	v3 =	vshll.u32 v2, $0x4  }
0x179: {  	v2 =	vand.u32 $0x7, v2;
	v3 =	vand.u32 $0xFFFFFF80, v3  }
0x17a: {  	v2 =	vor.u32 v2, v3  }
0x17b: {  	v2 =	vperm.xlane v2, v0;
	_ =	sdelay $0x1  }
0x17c: {  	v2 =	vadd.s32 v1, v2;
	_ =	sdelay $0x4  }
0x17d: {  	[tilespmem:s24], [sflag:$0x2] =	stream.indirect_vreg.gather [hbm4b:s1+s3], $0x80, v2, vm0, $0xb8;
	[tilespmem:$0x18200] =	vst v63  }
0x17e: {  	s24 =	simm.s32 $0x4A00  }
0x17f: {  	[tilespmem:s24], [sflag:$0x2] =	stream.indirect_vreg.gather [hbm4b:s5+s3], $0x80, v2, vm0, $0xb8;
	[tilespmem:$0x18200] =	vst v63  }
0x180: {  	s24 =	simm.s32 $0x5200  }
0x181: {  	[tilespmem:s24], [sflag:$0x2] =	stream.indirect_vreg.gather [hbm4b:s6+s3], $0x80, v2, vm0, $0xb8;
	[tilespmem:$0x18200] =	vst v63  }
0x182: {  	s24 =	simm.s32 $0x5A00  }
0x183: {  	[tilespmem:s24], [sflag:$0x2] =	stream.indirect_vreg.gather [hbm4b:s7+s3], $0x80, v2, vm0, $0xb8;
	[tilespmem:$0x18200] =	vst v63  }
0x184: {  	s24 =	simm.s32 $0x6200  }
0x185: {  	[tilespmem:s24], [sflag:$0x2] =	stream.indirect_vreg.gather [hbm4b:s8+s3], $0x80, v2, vm0, $0xb8;
	[tilespmem:$0x18200] =	vst v63  }
0x186: {  	s24 =	simm.s32 $0x6A00  }
0x187: {  	[tilespmem:s24], [sflag:$0x2] =	stream.indirect_vreg.gather [hbm4b:s9+s3], $0x80, v2, vm0, $0xb8;
	[tilespmem:$0x18200] =	vst v63  }
0x188: {  	s24 =	simm.s32 $0x7200  }
0x189: {  	[tilespmem:s24], [sflag:$0x2] =	stream.indirect_vreg.gather [hbm4b:s10+s3], $0x80, v2, vm0, $0xb8;
	[tilespmem:$0x18200] =	vst v63  }
0x18a: {  	s24 =	simm.s32 $0x7A00  }
0x18b: {  	[tilespmem:s24], [sflag:$0x2] =	stream.indirect_vreg.gather [hbm4b:s12+s3], $0x80, v2, vm0, $0xb8;
	[tilespmem:$0x18200] =	vst v63  }
0x18c: {  	_ =	swait.ge [sflag:s0], $0x4000  }
0x18d: {  	[sflag:s0] =	ssyncset.done $0x0  }
0x18e: {  	s28 =	simm.s32 $0xC200;
	s24 =	sadd.s32 $0x4800, s21;
	[sflag:s0] =	ssyncadd.s32 $0xFFFFC000  }
0x18f: {  	[hbm4b:s24+s3] =	stream.linear.scatter [tilespmem:s28], [sflag:$0xA], $0x4000, $0x38;
	[tilespmem:$0x18200] =	vst v63  }
0x190: {  	_ =	swait.ge [sflag:s4], $0x4000  }
0x191: {  	[sflag:s4] =	ssyncset.done $0x0  }
0x192: {  	[sflag:s4] =	ssyncadd.s32 $0xFFFFC000  }
0x193: {  	v2 =	vld.msk [tilespmem:s20+$0xFFFFFFF8], $0xff;
	_ =	sdelay $0x4  }
0x194: {  	v3 =	vshll.u32 v2, $0x4  }
0x195: {  	v2 =	vand.u32 $0x7, v2;
	v3 =	vand.u32 $0xFFFFFF80, v3  }
0x196: {  	v2 =	vor.u32 v2, v3  }
0x197: {  	v2 =	vperm.xlane v2, v0;
	_ =	sdelay $0x1  }
0x198: {  	v2 =	vadd.s32 v1, v2;
	_ =	sdelay $0x4  }
0x199: {  	[tilespmem:s15], [sflag:$0x3] =	stream.indirect_vreg.gather [hbm4b:s1+s3], $0x80, v2, vm0, $0xb8;
	[tilespmem:$0x18200] =	vst v63  }
0x19a: {  	s22 =	simm.s32 $0x8A00  }
0x19b: {  	[tilespmem:s22], [sflag:$0x3] =	stream.indirect_vreg.gather [hbm4b:s5+s3], $0x80, v2, vm0, $0xb8;
	[tilespmem:$0x18200] =	vst v63  }
0x19c: {  	s22 =	simm.s32 $0x9200  }
0x19d: {  	[tilespmem:s22], [sflag:$0x3] =	stream.indirect_vreg.gather [hbm4b:s6+s3], $0x80, v2, vm0, $0xb8;
	[tilespmem:$0x18200] =	vst v63  }
0x19e: {  	s22 =	simm.s32 $0x9A00  }
0x19f: {  	[tilespmem:s22], [sflag:$0x3] =	stream.indirect_vreg.gather [hbm4b:s7+s3], $0x80, v2, vm0, $0xb8;
	[tilespmem:$0x18200] =	vst v63  }
0x1a0: {  	s22 =	simm.s32 $0xA200  }
0x1a1: {  	[tilespmem:s22], [sflag:$0x3] =	stream.indirect_vreg.gather [hbm4b:s8+s3], $0x80, v2, vm0, $0xb8;
	[tilespmem:$0x18200] =	vst v63  }
0x1a2: {  	s22 =	simm.s32 $0xAA00  }
0x1a3: {  	[tilespmem:s22], [sflag:$0x3] =	stream.indirect_vreg.gather [hbm4b:s9+s3], $0x80, v2, vm0, $0xb8;
	[tilespmem:$0x18200] =	vst v63  }
0x1a4: {  	s22 =	simm.s32 $0xB200  }
0x1a5: {  	[tilespmem:s22], [sflag:$0x3] =	stream.indirect_vreg.gather [hbm4b:s10+s3], $0x80, v2, vm0, $0xb8;
	[tilespmem:$0x18200] =	vst v63  }
0x1a6: {  	s22 =	simm.s32 $0xBA00  }
0x1a7: {  	[tilespmem:s22], [sflag:$0x3] =	stream.indirect_vreg.gather [hbm4b:s12+s3], $0x80, v2, vm0, $0xb8;
	[tilespmem:$0x18200] =	vst v63  }
0x1a8: {  	_ =	swait.ge [sflag:s23], $0x4000  }
0x1a9: {  	[sflag:s23] =	ssyncset.done $0x0  }
0x1aa: {  	s11 =	simm.s32 $0x10200;
	s15 =	sadd.s32 $0x5000, s21;
	[sflag:s23] =	ssyncadd.s32 $0xFFFFC000  }
0x1ab: {  	[hbm4b:s15+s3] =	stream.linear.scatter [tilespmem:s11], [sflag:$0xB], $0x4000, $0x38;
	[tilespmem:$0x18200] =	vst v63  }
0x1ac: {  	_ =	swait.ge [sflag:s13], $0x4000  }
0x1ad: {  	[sflag:s13] =	ssyncset.done $0x0  }
0x1ae: {  	[sflag:s13] =	ssyncadd.s32 $0xFFFFC000  }
0x1af: {  	v2 =	vld.msk [tilespmem:s20+$0x0], $0xff;
	_ =	sdelay $0x4  }
0x1b0: {  	v3 =	vshll.u32 v2, $0x4  }
0x1b1: {  	v2 =	vand.u32 $0x7, v2;
	v3 =	vand.u32 $0xFFFFFF80, v3  }
0x1b2: {  	v2 =	vor.u32 v2, v3  }
0x1b3: {  	v2 =	vperm.xlane v2, v0;
	_ =	sdelay $0x1  }
0x1b4: {  	v2 =	vadd.s32 v1, v2;
	_ =	sdelay $0x4  }
0x1b5: {  	[tilespmem:s28], [sflag:$0x4] =	stream.indirect_vreg.gather [hbm4b:s1+s3], $0x80, v2, vm0, $0xb8;
	[tilespmem:$0x18200] =	vst v63  }
0x1b6: {  	s11 =	simm.s32 $0xCA00  }
0x1b7: {  	[tilespmem:s11], [sflag:$0x4] =	stream.indirect_vreg.gather [hbm4b:s5+s3], $0x80, v2, vm0, $0xb8;
	[tilespmem:$0x18200] =	vst v63  }
0x1b8: {  	s11 =	simm.s32 $0xD200  }
0x1b9: {  	[tilespmem:s11], [sflag:$0x4] =	stream.indirect_vreg.gather [hbm4b:s6+s3], $0x80, v2, vm0, $0xb8;
	[tilespmem:$0x18200] =	vst v63  }
0x1ba: {  	s11 =	simm.s32 $0xDA00  }
0x1bb: {  	[tilespmem:s11], [sflag:$0x4] =	stream.indirect_vreg.gather [hbm4b:s7+s3], $0x80, v2, vm0, $0xb8;
	[tilespmem:$0x18200] =	vst v63  }
0x1bc: {  	s11 =	simm.s32 $0xE200  }
0x1bd: {  	[tilespmem:s11], [sflag:$0x4] =	stream.indirect_vreg.gather [hbm4b:s8+s3], $0x80, v2, vm0, $0xb8;
	[tilespmem:$0x18200] =	vst v63  }
0x1be: {  	s11 =	simm.s32 $0xEA00  }
0x1bf: {  	[tilespmem:s11], [sflag:$0x4] =	stream.indirect_vreg.gather [hbm4b:s9+s3], $0x80, v2, vm0, $0xb8;
	[tilespmem:$0x18200] =	vst v63  }
0x1c0: {  	s11 =	simm.s32 $0xF200  }
0x1c1: {  	[tilespmem:s11], [sflag:$0x4] =	stream.indirect_vreg.gather [hbm4b:s10+s3], $0x80, v2, vm0, $0xb8;
	[tilespmem:$0x18200] =	vst v63  }
0x1c2: {  	p0 =	sne.s32 s26, $0x18000;
	s2 =	simm.s32 $0x200;
	s11 =	simm.s32 $0xFA00  }
0x1c3: {  	[tilespmem:s11], [sflag:$0x4] =	stream.indirect_vreg.gather [hbm4b:s12+s3], $0x80, v2, vm0, $0xb8;
	[tilespmem:$0x18200] =	vst v63  }
.Ltmp0:
0x1c4: {  	s26 =	sadd.s32 $0x3000, s26;
	s17 =	simm.s32 $0x4200;
	(pc) =	sbr.rel @p0 .LBB2_2-.Ltmp0, $4  }
0x1c5: {  	s24 =	simm.s32 $0x8200;
	s21 =	sadd.s32 $0x5800, s21;
	_ =	swait.ge [sflag:s18], $0x4000  }
0x1c6: {  	s22 =	simm.s32 $0x10200;
	s15 =	simm.s32 $0xC200;
	[sflag:s18] =	ssyncset.done $0x0  }
0x1c7: {  	s20 =	sadd.s32 $0x30, s20;
	s28 =	simm.s32 $0x14200;
	[sflag:s18] =	ssyncadd.s32 $0xFFFFC000  }
0x1c8: {  	[hbm4b:s21+s3] =	stream.linear.scatter [tilespmem:s28], [sflag:$0xC], $0x4000, $0x38;
	[tilespmem:$0x18200] =	vst v63  }
0x1c9: {  	_ =	swait.ge [sflag:s14], $0x4000  }
0x1ca: {  	[sflag:s14] =	ssyncset.done $0x0  }
0x1cb: {  	s11 =	simm.s32 $0x1;
	[sflag:s14] =	ssyncadd.s32 $0xFFFFC000  }
0x1cc: {  	_ =	swait.ge [sflag:s11], $0x4000  }
0x1cd: {  	[sflag:s11] =	ssyncset.done $0x0  }
0x1ce: {  	s20 =	rddreg [dreg:$0xc];
	[sflag:s11] =	ssyncadd.s32 $0xFFFFC000  }
0x1cf: {  	[hbm4b:s20+s3] =	stream.linear.scatter [tilespmem:s2], [sflag:$0x7], $0x4000, $0x38;
	[tilespmem:$0x18200] =	vst v63  }
0x1d0: {  	_ =	swait.ge [sflag:s25], $0x4000  }
0x1d1: {  	[sflag:s25] =	ssyncset.done $0x0  }
0x1d2: {  	[sflag:s25] =	ssyncadd.s32 $0xFFFFC000  }
0x1d3: {  	_ =	swait.ge [sflag:s29], $0x4000  }
0x1d4: {  	[sflag:s29] =	ssyncset.done $0x0  }
0x1d5: {  	s21 =	rddreg [dreg:$0xd];
	[sflag:s29] =	ssyncadd.s32 $0xFFFFC000  }
0x1d6: {  	[hbm4b:s21+s3] =	stream.linear.scatter [tilespmem:s17], [sflag:$0x8], $0x4000, $0x38;
	[tilespmem:$0x18200] =	vst v63  }
0x1d7: {  	_ =	swait.ge [sflag:s16], $0x4000  }
0x1d8: {  	[sflag:s16] =	ssyncset.done $0x0  }
0x1d9: {  	[sflag:s16] =	ssyncadd.s32 $0xFFFFC000  }
0x1da: {  	_ =	swait.ge [sflag:s30], $0x4000  }
0x1db: {  	[sflag:s30] =	ssyncset.done $0x0  }
0x1dc: {  	s22 =	rddreg [dreg:$0xe];
	[sflag:s30] =	ssyncadd.s32 $0xFFFFC000  }
0x1dd: {  	[hbm4b:s22+s3] =	stream.linear.scatter [tilespmem:s24], [sflag:$0x9], $0x4000, $0x38;
	[tilespmem:$0x18200] =	vst v63  }
0x1de: {  	_ =	swait.ge [sflag:s31], $0x4000  }
0x1df: {  	[sflag:s31] =	ssyncset.done $0x0  }
0x1e0: {  	[sflag:s31] =	ssyncadd.s32 $0xFFFFC000  }
0x1e1: {  	_ =	swait.ge [sflag:s0], $0x4000  }
0x1e2: {  	[sflag:s0] =	ssyncset.done $0x0  }
0x1e3: {  	s24 =	rddreg [dreg:$0xf];
	[sflag:s0] =	ssyncadd.s32 $0xFFFFC000  }
0x1e4: {  	[hbm4b:s24+s3] =	stream.linear.scatter [tilespmem:s15], [sflag:$0xA], $0x4000, $0x38;
	[tilespmem:$0x18200] =	vst v63  }
0x1e5: {  	_ =	swait.ge [sflag:s4], $0x4000  }
0x1e6: {  	[sflag:s4] =	ssyncset.done $0x0  }
0x1e7: {  	[sflag:s4] =	ssyncadd.s32 $0xFFFFC000  }
0x1e8: {  	_ =	swait.ge [sflag:s13], $0x4000  }
0x1e9: {  	s26 =	rddreg [dreg:$0x11]  }
0x1ea: {  	s28 =	rddreg [dreg:$0x10];
	s11 =	sadd.s32 $0x1, s26  }
0x1eb: {  	p0 =	sne.s32 s11, s28  }
.Ltmp1:
0x1ec: {  	_ = 	snop;
	(pc) =	sbr.rel @p0 .LBB2_1-.Ltmp1, $4  }
0x1ed: {  	_ = 	snop  }
0x1ee: {  	s2 =	simm.s32 $0x1A00;
	s21 =	simm.s32 $0xA00  }
0x1ef: {  	s17 =	simm.s32 $0x3200;
	s15 =	simm.s32 $0x2200;
	[sflag:s13] =	ssyncset.done $0x0  }
0x1f0: {  	s24 =	simm.s32 $0x2A00;
	[sflag:s13] =	ssyncadd.s32 $0xFFFFC000;
	s26 =	simm.s32 $0x3A00  }
0x1f1: {  	_ =	sfence.sel $0x180000  }
0x1f2: {  	[bflag:$0x0] =	sbarrier.arrive $0xFFFF  }
0x1f3: {  	_ =	strace $0x90000047  }
0x1f4: {  	s0 =	stileid.u32;
	[bflag:$0x2] =	sbarrier.arrive $0xFFFF  }
0x1f5: {  	p0 =	sne.s32 s0, $0x0;
	s0 =	rddreg [dreg:$0x3]  }
0x1f6: {  	s0 =	sadd.s32 @!p0 $0x100000, s0  }
0x1f7: {  	[sflag:s0] =	ssyncadd.tile.s32 @!p0 $0x1;
	_ =	shalt  }
.Lfunc_end2:
_tile_overlayer_lowered:
.L_overlay_start_2:
0x1f8: {  	(tag) =	ssettag $0x2  }
0x1f9: {  	s0 =	rddreg [dreg:$0x0];
	s2 =	stileid.u32  }
0x1fa: {  	s1 =	rddreg [dreg:$0x1];
	p0 =	sne.s32 s2, $0x0  }
0x1fb: {  	s3 =	rddreg [dreg:$0x2];
	[bflag:$0x3] =	sbarrier.arrive $0xFFFF;
	s2 =	simm.s32 @!p0 $0x1C0D  }
0x1fc: {  	[timem:s3], [sflag:s2] =	dma.local @!p0 [hbm:s0], s1  }
0x1fd: {  	s0 =	simm.s32 @!p0 $0xD  }
0x1fe: {  	_ =	swait.ge @!p0 [sflag:s0], s1  }
0x1ff: {  	s1 =	ssub.s32 @!p0 $0x0, s1;
	[sflag:s0] =	ssyncset.done @!p0 $0x0  }
0x200: {  	[sflag:s0] =	ssyncadd.s32 @!p0 s1  }
0x201: {  	[bflag:$0x3] =	sbarrier.arrive $0xFFFF  }
0x202: {  	_ =	shalt  }

</sc_bundles>
